<compile_context>
chip_gen: v7x
topology: tpu7x:2x2x1
jax: 0.10.2.dev20260603
libtpu: 0.0.44.dev20260713+nightly
codegen_flags: <defaults>
</compile_context>

<pallas_src>
import jax
import jax.numpy as jnp
from jax import lax
from jax.experimental import pallas as pl
from jax.experimental.pallas import tpu as pltpu
from jax.experimental.pallas import tpu_sc as plsc

_S = 128
_B = 4096
_D = 256
_WEIGHT = 0.05
_NC = 2
_NS = 16
_NW = _NC * _NS
_RPW = _B // _NW
_L = 16
_G = _RPW // _L


def _sc_body(emb_hbm, sid_hbm, out_sums, out_qc, sid_v, rows_v, acc_s, acc_qc,
             sem):
    cid = lax.axis_index("c")
    tid = lax.axis_index("s")
    wid = tid * _NC + cid
    base = wid * _RPW

    iota = lax.broadcasted_iota(jnp.int32, (_L,), 0)
    zv = jnp.zeros((_L,), jnp.float32)
    ones = jnp.full((_L,), 1.0, jnp.float32)

    pltpu.sync_copy(sid_hbm.at[pl.ds(base, _RPW)], sid_v)
    rows_cp = pltpu.async_copy(emb_hbm.at[pl.ds(base, _RPW)], rows_v, sem)

    @plsc.parallel_loop(0, _S, unroll=4)
    def _(r):
        for j in range(_D // _L):
            acc_s[r, pl.ds(j * _L, _L)] = zv
        acc_qc[r, pl.ds(0, _L)] = zv
        acc_qc[r, pl.ds(_L, _L)] = zv

    @plsc.parallel_loop(0, _G, unroll=1)
    def _(g):
        sv = sid_v[pl.ds(g * _L, _L)]
        plsc.addupdate_scatter(acc_qc, [sv, iota + _L], ones)

    rows_cp.wait()

    @plsc.parallel_loop(0, _RPW, unroll=2)
    def _(b):
        svb = plsc.load_gather(sid_v, [iota * 0 + b])
        sq = []
        for cb in range(_D // _L):
            v = rows_v[b, pl.ds(cb * _L, _L)]
            plsc.addupdate_scatter(acc_s, [svb, cb * _L + iota], v)
            sq.append(v * v)
        while len(sq) > 1:
            sq = [sq[2 * j] + sq[2 * j + 1] for j in range(len(sq) // 2)]
        plsc.addupdate_scatter(acc_qc, [svb, iota], sq[0])

    pltpu.sync_copy(acc_s, out_sums.at[wid])
    pltpu.sync_copy(acc_qc, out_qc.at[wid])


_sc_call = pl.kernel(
    _sc_body,
    out_type=(jax.ShapeDtypeStruct((_NW, _S, _D), jnp.float32),
              jax.ShapeDtypeStruct((_NW, _S, 2 * _L), jnp.float32)),
    mesh=plsc.VectorSubcoreMesh(core_axis_name="c", subcore_axis_name="s"),
    compiler_params=pltpu.CompilerParams(needs_layout_passes=False),
    scratch_types=[
        pltpu.VMEM((_RPW,), jnp.int32),
        pltpu.VMEM((_RPW, _D), jnp.float32),
        pltpu.VMEM((_S, _D), jnp.float32),
        pltpu.VMEM((_S, 2 * _L), jnp.float32),
        pltpu.SemaphoreType.DMA,
    ],
)


def _combine_body(sums_ref, qc_ref, out_ref):
    sums = jnp.sum(sums_ref[:], axis=0)
    qc = jnp.sum(qc_ref[:], axis=0)
    ssq = jnp.sum(qc[:, 0:_L], axis=1)
    counts = jnp.sum(qc[:, _L:], axis=1)
    safe = jnp.maximum(counts, 1.0)
    var = (ssq - jnp.sum(sums * sums, axis=1) / safe) / (safe * _D)
    mask = (counts > 1.0).astype(jnp.float32)
    total = jnp.sum(var * mask)
    nsc = jnp.sum(mask)
    loss = jnp.where(nsc > 0, _WEIGHT * total / jnp.maximum(nsc, 1.0), 0.0)
    out_ref[:] = jnp.reshape(loss, (1, 1))


def kernel(embeddings, scaffolds, batch):
    del batch
    sums32, qc = _sc_call(embeddings, scaffolds.astype(jnp.int32))
    out = pl.pallas_call(
        _combine_body,
        out_shape=jax.ShapeDtypeStruct((1, 1), jnp.float32),
    )(sums32, qc)
    return out[0, 0]

# --- scband reference (transcript-rebuilt; emitter-appended) ---
"""Pipeline reference for scband-scaffold-consistency-loss-69303592288630 (READ-ONLY COPY).

The authoritative reference and input builder live on the scoring server;
editing this copy changes nothing except your own understanding.
"""

import jax, jax.numpy as jnp
import numpy as np

NUM_SCAFFOLDS = 128
WEIGHT = 0.05

def setup_inputs(seed: int = 0) -> dict:
    key = jax.random.key(seed)
    k1, k2 = jax.random.split(key)
    embeddings = jax.random.normal(k1, (4096, 256), dtype=jnp.float32)
    scaffolds = jax.random.randint(k2, (4096,), 0, NUM_SCAFFOLDS, dtype=jnp.int64 if jax.config.jax_enable_x64 else jnp.int32)
    batch = jnp.arange(4096, dtype=scaffolds.dtype)
    return {"embeddings": embeddings, "scaffolds": scaffolds, "batch": batch}

def reference(embeddings, scaffolds, batch):
    B, D = embeddings.shape
    S = NUM_SCAFFOLDS
    ones = jnp.ones((B,), dtype=embeddings.dtype)
    counts = jax.ops.segment_sum(ones, scaffolds, num_segments=S)  # [S]
    sums = jax.ops.segment_sum(embeddings, scaffolds, num_segments=S)  # [S, D]
    safe_counts = jnp.maximum(counts, 1.0)
    means = sums / safe_counts[:, None]  # [S, D]
    sq_dev = (embeddings - means[scaffolds]) ** 2  # [B, D]
    sq_sum = jax.ops.segment_sum(sq_dev, scaffolds, num_segments=S)  # [S, D]
    # variance per scaffold = mean over (n_i * D) elements, matching torch.mean
    variance = jnp.sum(sq_sum, axis=1) / (safe_counts * D)  # [S]
    mask = (counts > 1.0).astype(embeddings.dtype)
    total_loss = jnp.sum(variance * mask)
    num_scaffolds = jnp.sum(mask)
    loss = jnp.where(num_scaffolds > 0, WEIGHT * total_loss / jnp.maximum(num_scaffolds, 1.0), jnp.asarray(0.0, embeddings.dtype))
    return loss

if __name__ == "__main__":
    import jax
    _d = setup_inputs()
    print(jax.jit(kernel)(*tuple(_d.values())))

</pallas_src>

<mosaic_0001>
#map = affine_map<(d0, d1) -> (0, 0)>
#map1 = affine_map<(d0, d1) -> (0)>
#map2 = affine_map<(d0, d1) -> (0, 0, 0)>
module attributes {stable_mosaic.version = 14 : i64} {
  func.func @_sc_body(%arg0: i32, %arg1: i32, %arg2: memref<4096x256xf32, #tpu.memory_space<hbm>>, %arg3: memref<4096xi32, #tpu.memory_space<hbm>>, %arg4: memref<32x128x256xf32, #tpu.memory_space<hbm>>, %arg5: memref<32x128x32xf32, #tpu.memory_space<hbm>>, %arg6: memref<128xi32, #tpu.memory_space<vmem>>, %arg7: memref<128x256xf32, #tpu.memory_space<vmem>>, %arg8: memref<128x256xf32, #tpu.memory_space<vmem>>, %arg9: memref<128x32xf32, #tpu.memory_space<vmem>>, %arg10: memref<!tpu.dma_semaphore, #tpu.memory_space<semaphore_mem>>) attributes {dimension_semantics = [#tpu.dimension_semantics<core_parallel>, #tpu.dimension_semantics<subcore_parallel>], iteration_bounds = array<i64: 2, 16>, scalar_prefetch = 0 : i64, scratch_operands = 5 : i64, tpu.core_type = #tpu.core_type<sc_vector_subcore>, window_params = [{transform_indices = #map}, {transform_indices = #map1}, {transform_indices = #map2}, {transform_indices = #map2}]} {
    %mul3A = arith.constant 2 : i32
    %mul3A_0 = arith.muli %arg1, %mul3A : i32
    %add3A = arith.addi %mul3A_0, %arg0 : i32
    %mul3A_1 = arith.constant 128 : i32
    %mul3A_2 = arith.muli %add3A, %mul3A_1 : i32
    %iota3A = tpu.iota {dimensions = array<i32: 0>} : vector<16xi32>
    %broadcast_in_dim3A = arith.constant 0.000000e+00 : f32
    %broadcast_in_dim3A_3 = vector.broadcast %broadcast_in_dim3A : f32 to vector<16xf32>
    %broadcast_in_dim3A_4 = arith.constant 1.000000e+00 : f32
    %broadcast_in_dim3A_5 = vector.broadcast %broadcast_in_dim3A_4 : f32 to vector<16xf32>
    "tpu.region"() ({
      %run_scoped3A = tpu.sem_alloc : memref<!tpu.dma_semaphore, #tpu.memory_space<semaphore_mem>>
      %dma_start3A_20 = tpu.memref_slice %arg3[%mul3A_2] : memref<4096xi32, #tpu.memory_space<hbm>> -> memref<128xi32, #tpu.memory_space<hbm>>
      %dma_start3A_21 = tpu.memref_slice %arg3[%mul3A_2] : memref<4096xi32, #tpu.memory_space<hbm>> -> memref<128xi32, #tpu.memory_space<hbm>>
      tpu.enqueue_dma source(%dma_start3A_21 : memref<128xi32, #tpu.memory_space<hbm>>) target(%arg6 : memref<128xi32, #tpu.memory_space<vmem>>) target_semaphore(%run_scoped3A : memref<!tpu.dma_semaphore, #tpu.memory_space<semaphore_mem>>)
      %dma_wait3A_22 = tpu.memref_slice %arg3[%mul3A_2] : memref<4096xi32, #tpu.memory_space<hbm>> -> memref<128xi32, #tpu.memory_space<hbm>>
      %dma_wait3A_23 = tpu.memref_slice %arg3[%mul3A_2] : memref<4096xi32, #tpu.memory_space<hbm>> -> memref<128xi32, #tpu.memory_space<hbm>>
      tpu.wait_dma2 semaphore(%run_scoped3A : memref<!tpu.dma_semaphore, #tpu.memory_space<semaphore_mem>>) src(%dma_wait3A_23 : memref<128xi32, #tpu.memory_space<hbm>>) dst(%arg6 : memref<128xi32, #tpu.memory_space<vmem>>)
      tpu.yield
    }) : () -> ()
    %dma_start3A = arith.constant 0 : i32
    %dma_start3A_6 = tpu.memref_slice %arg2[%mul3A_2, %dma_start3A] : memref<4096x256xf32, #tpu.memory_space<hbm>> -> memref<128x256xf32, #tpu.memory_space<hbm>>
    %dma_start3A_7 = arith.constant 0 : i32
    %dma_start3A_8 = tpu.memref_slice %arg2[%mul3A_2, %dma_start3A_7] : memref<4096x256xf32, #tpu.memory_space<hbm>> -> memref<128x256xf32, #tpu.memory_space<hbm>>
    tpu.enqueue_dma source(%dma_start3A_8 : memref<128x256xf32, #tpu.memory_space<hbm>>) target(%arg7 : memref<128x256xf32, #tpu.memory_space<vmem>>) target_semaphore(%arg10 : memref<!tpu.dma_semaphore, #tpu.memory_space<semaphore_mem>>)
    %parallel_loop3A = arith.constant 0 : i32
    %parallel_loop3A_9 = arith.constant 128 : i32
    %parallel_loop3A_10 = arith.constant 1 : i32
    scf.for %parallel_loop3A_20 = %parallel_loop3A to %parallel_loop3A_9 step %parallel_loop3A_10  : i32 {
      %parallel_loop3A_21 = arith.index_cast %parallel_loop3A_20 : i32 to index
      %parallel_loop3A_22 = arith.constant 0 : index
      %parallel_loop3A_23 = tpu.vector_load %arg8[%parallel_loop3A_21, %parallel_loop3A_22] {strides = array<i32>} : memref<128x256xf32, #tpu.memory_space<vmem>>, vector<16xf32>,
      tpu.vector_store %arg8[%parallel_loop3A_21, %parallel_loop3A_22], %broadcast_in_dim3A_3 {strides = array<i32>} : memref<128x256xf32, #tpu.memory_space<vmem>>, vector<16xf32>,
      %parallel_loop3A_24 = arith.index_cast %parallel_loop3A_20 : i32 to index
      %parallel_loop3A_25 = arith.constant 16 : index
      %parallel_loop3A_26 = tpu.vector_load %arg8[%parallel_loop3A_24, %parallel_loop3A_25] {strides = array<i32>} : memref<128x256xf32, #tpu.memory_space<vmem>>, vector<16xf32>,
      tpu.vector_store %arg8[%parallel_loop3A_24, %parallel_loop3A_25], %broadcast_in_dim3A_3 {strides = array<i32>} : memref<128x256xf32, #tpu.memory_space<vmem>>, vector<16xf32>,
      %parallel_loop3A_27 = arith.index_cast %parallel_loop3A_20 : i32 to index
      %parallel_loop3A_28 = arith.constant 32 : index
      %parallel_loop3A_29 = tpu.vector_load %arg8[%parallel_loop3A_27, %parallel_loop3A_28] {strides = array<i32>} : memref<128x256xf32, #tpu.memory_space<vmem>>, vector<16xf32>,
      tpu.vector_store %arg8[%parallel_loop3A_27, %parallel_loop3A_28], %broadcast_in_dim3A_3 {strides = array<i32>} : memref<128x256xf32, #tpu.memory_space<vmem>>, vector<16xf32>,
      %parallel_loop3A_30 = arith.index_cast %parallel_loop3A_20 : i32 to index
      %parallel_loop3A_31 = arith.constant 48 : index
      %parallel_loop3A_32 = tpu.vector_load %arg8[%parallel_loop3A_30, %parallel_loop3A_31] {strides = array<i32>} : memref<128x256xf32, #tpu.memory_space<vmem>>, vector<16xf32>,
      tpu.vector_store %arg8[%parallel_loop3A_30, %parallel_loop3A_31], %broadcast_in_dim3A_3 {strides = array<i32>} : memref<128x256xf32, #tpu.memory_space<vmem>>, vector<16xf32>,
      %parallel_loop3A_33 = arith.index_cast %parallel_loop3A_20 : i32 to index
      %parallel_loop3A_34 = arith.constant 64 : index
      %parallel_loop3A_35 = tpu.vector_load %arg8[%parallel_loop3A_33, %parallel_loop3A_34] {strides = array<i32>} : memref<128x256xf32, #tpu.memory_space<vmem>>, vector<16xf32>,
      tpu.vector_store %arg8[%parallel_loop3A_33, %parallel_loop3A_34], %broadcast_in_dim3A_3 {strides = array<i32>} : memref<128x256xf32, #tpu.memory_space<vmem>>, vector<16xf32>,
      %parallel_loop3A_36 = arith.index_cast %parallel_loop3A_20 : i32 to index
      %parallel_loop3A_37 = arith.constant 80 : index
      %parallel_loop3A_38 = tpu.vector_load %arg8[%parallel_loop3A_36, %parallel_loop3A_37] {strides = array<i32>} : memref<128x256xf32, #tpu.memory_space<vmem>>, vector<16xf32>,
      tpu.vector_store %arg8[%parallel_loop3A_36, %parallel_loop3A_37], %broadcast_in_dim3A_3 {strides = array<i32>} : memref<128x256xf32, #tpu.memory_space<vmem>>, vector<16xf32>,
      %parallel_loop3A_39 = arith.index_cast %parallel_loop3A_20 : i32 to index
      %parallel_loop3A_40 = arith.constant 96 : index
      %parallel_loop3A_41 = tpu.vector_load %arg8[%parallel_loop3A_39, %parallel_loop3A_40] {strides = array<i32>} : memref<128x256xf32, #tpu.memory_space<vmem>>, vector<16xf32>,
      tpu.vector_store %arg8[%parallel_loop3A_39, %parallel_loop3A_40], %broadcast_in_dim3A_3 {strides = array<i32>} : memref<128x256xf32, #tpu.memory_space<vmem>>, vector<16xf32>,
      %parallel_loop3A_42 = arith.index_cast %parallel_loop3A_20 : i32 to index
      %parallel_loop3A_43 = arith.constant 112 : index
      %parallel_loop3A_44 = tpu.vector_load %arg8[%parallel_loop3A_42, %parallel_loop3A_43] {strides = array<i32>} : memref<128x256xf32, #tpu.memory_space<vmem>>, vector<16xf32>,
      tpu.vector_store %arg8[%parallel_loop3A_42, %parallel_loop3A_43], %broadcast_in_dim3A_3 {strides = array<i32>} : memref<128x256xf32, #tpu.memory_space<vmem>>, vector<16xf32>,
      %parallel_loop3A_45 = arith.index_cast %parallel_loop3A_20 : i32 to index
      %parallel_loop3A_46 = arith.constant 128 : index
      %parallel_loop3A_47 = tpu.vector_load %arg8[%parallel_loop3A_45, %parallel_loop3A_46] {strides = array<i32>} : memref<128x256xf32, #tpu.memory_space<vmem>>, vector<16xf32>,
      tpu.vector_store %arg8[%parallel_loop3A_45, %parallel_loop3A_46], %broadcast_in_dim3A_3 {strides = array<i32>} : memref<128x256xf32, #tpu.memory_space<vmem>>, vector<16xf32>,
      %parallel_loop3A_48 = arith.index_cast %parallel_loop3A_20 : i32 to index
      %parallel_loop3A_49 = arith.constant 144 : index
      %parallel_loop3A_50 = tpu.vector_load %arg8[%parallel_loop3A_48, %parallel_loop3A_49] {strides = array<i32>} : memref<128x256xf32, #tpu.memory_space<vmem>>, vector<16xf32>,
      tpu.vector_store %arg8[%parallel_loop3A_48, %parallel_loop3A_49], %broadcast_in_dim3A_3 {strides = array<i32>} : memref<128x256xf32, #tpu.memory_space<vmem>>, vector<16xf32>,
      %parallel_loop3A_51 = arith.index_cast %parallel_loop3A_20 : i32 to index
      %parallel_loop3A_52 = arith.constant 160 : index
      %parallel_loop3A_53 = tpu.vector_load %arg8[%parallel_loop3A_51, %parallel_loop3A_52] {strides = array<i32>} : memref<128x256xf32, #tpu.memory_space<vmem>>, vector<16xf32>,
      tpu.vector_store %arg8[%parallel_loop3A_51, %parallel_loop3A_52], %broadcast_in_dim3A_3 {strides = array<i32>} : memref<128x256xf32, #tpu.memory_space<vmem>>, vector<16xf32>,
      %parallel_loop3A_54 = arith.index_cast %parallel_loop3A_20 : i32 to index
      %parallel_loop3A_55 = arith.constant 176 : index
      %parallel_loop3A_56 = tpu.vector_load %arg8[%parallel_loop3A_54, %parallel_loop3A_55] {strides = array<i32>} : memref<128x256xf32, #tpu.memory_space<vmem>>, vector<16xf32>,
      tpu.vector_store %arg8[%parallel_loop3A_54, %parallel_loop3A_55], %broadcast_in_dim3A_3 {strides = array<i32>} : memref<128x256xf32, #tpu.memory_space<vmem>>, vector<16xf32>,
      %parallel_loop3A_57 = arith.index_cast %parallel_loop3A_20 : i32 to index
      %parallel_loop3A_58 = arith.constant 192 : index
      %parallel_loop3A_59 = tpu.vector_load %arg8[%parallel_loop3A_57, %parallel_loop3A_58] {strides = array<i32>} : memref<128x256xf32, #tpu.memory_space<vmem>>, vector<16xf32>,
      tpu.vector_store %arg8[%parallel_loop3A_57, %parallel_loop3A_58], %broadcast_in_dim3A_3 {strides = array<i32>} : memref<128x256xf32, #tpu.memory_space<vmem>>, vector<16xf32>,
      %parallel_loop3A_60 = arith.index_cast %parallel_loop3A_20 : i32 to index
      %parallel_loop3A_61 = arith.constant 208 : index
      %parallel_loop3A_62 = tpu.vector_load %arg8[%parallel_loop3A_60, %parallel_loop3A_61] {strides = array<i32>} : memref<128x256xf32, #tpu.memory_space<vmem>>, vector<16xf32>,
      tpu.vector_store %arg8[%parallel_loop3A_60, %parallel_loop3A_61], %broadcast_in_dim3A_3 {strides = array<i32>} : memref<128x256xf32, #tpu.memory_space<vmem>>, vector<16xf32>,
      %parallel_loop3A_63 = arith.index_cast %parallel_loop3A_20 : i32 to index
      %parallel_loop3A_64 = arith.constant 224 : index
      %parallel_loop3A_65 = tpu.vector_load %arg8[%parallel_loop3A_63, %parallel_loop3A_64] {strides = array<i32>} : memref<128x256xf32, #tpu.memory_space<vmem>>, vector<16xf32>,
      tpu.vector_store %arg8[%parallel_loop3A_63, %parallel_loop3A_64], %broadcast_in_dim3A_3 {strides = array<i32>} : memref<128x256xf32, #tpu.memory_space<vmem>>, vector<16xf32>,
      %parallel_loop3A_66 = arith.index_cast %parallel_loop3A_20 : i32 to index
      %parallel_loop3A_67 = arith.constant 240 : index
      %parallel_loop3A_68 = tpu.vector_load %arg8[%parallel_loop3A_66, %parallel_loop3A_67] {strides = array<i32>} : memref<128x256xf32, #tpu.memory_space<vmem>>, vector<16xf32>,
      tpu.vector_store %arg8[%parallel_loop3A_66, %parallel_loop3A_67], %broadcast_in_dim3A_3 {strides = array<i32>} : memref<128x256xf32, #tpu.memory_space<vmem>>, vector<16xf32>,
      %parallel_loop3A_69 = arith.index_cast %parallel_loop3A_20 : i32 to index
      %parallel_loop3A_70 = arith.constant 0 : index
      %parallel_loop3A_71 = tpu.vector_load %arg9[%parallel_loop3A_69, %parallel_loop3A_70] {strides = array<i32>} : memref<128x32xf32, #tpu.memory_space<vmem>>, vector<16xf32>,
      tpu.vector_store %arg9[%parallel_loop3A_69, %parallel_loop3A_70], %broadcast_in_dim3A_3 {strides = array<i32>} : memref<128x32xf32, #tpu.memory_space<vmem>>, vector<16xf32>,
      %parallel_loop3A_72 = arith.index_cast %parallel_loop3A_20 : i32 to index
      %parallel_loop3A_73 = arith.constant 16 : index
      %parallel_loop3A_74 = tpu.vector_load %arg9[%parallel_loop3A_72, %parallel_loop3A_73] {strides = array<i32>} : memref<128x32xf32, #tpu.memory_space<vmem>>, vector<16xf32>,
      tpu.vector_store %arg9[%parallel_loop3A_72, %parallel_loop3A_73], %broadcast_in_dim3A_3 {strides = array<i32>} : memref<128x32xf32, #tpu.memory_space<vmem>>, vector<16xf32>,
    } {sc.loop_unroll_factor = 4 : i64, sc.parallel_access}
    %parallel_loop3A_11 = arith.constant 0 : i32
    %parallel_loop3A_12 = arith.constant 8 : i32
    %parallel_loop3A_13 = arith.constant 1 : i32
    scf.for %parallel_loop3A_20 = %parallel_loop3A_11 to %parallel_loop3A_12 step %parallel_loop3A_13  : i32 {
      %parallel_loop3A_21 = arith.constant 16 : i32
      %parallel_loop3A_22 = arith.muli %parallel_loop3A_20, %parallel_loop3A_21 : i32
      %parallel_loop3A_23 = arith.index_cast %parallel_loop3A_22 : i32 to index
      %parallel_loop3A_24 = tpu.vector_load %arg6[%parallel_loop3A_23] {strides = array<i32>} : memref<128xi32, #tpu.memory_space<vmem>>, vector<16xi32>,
      %parallel_loop3A_25 = arith.constant 16 : i32
      %parallel_loop3A_26 = vector.broadcast %parallel_loop3A_25 : i32 to vector<16xi32>
      %parallel_loop3A_27 = arith.addi %iota3A, %parallel_loop3A_26 : vector<16xi32>
      tpu.vector_store_idx %arg9[%parallel_loop3A_24, %parallel_loop3A_27], %broadcast_in_dim3A_5 {add = true} : memref<128x32xf32, #tpu.memory_space<vmem>>[vector<16xi32>, vector<16xi32>], vector<16xf32>,
    } {sc.loop_unroll_factor = 1 : i64, sc.parallel_access}
    %dma_wait3A = arith.constant 0 : i32
    %dma_wait3A_14 = tpu.memref_slice %arg2[%mul3A_2, %dma_wait3A] : memref<4096x256xf32, #tpu.memory_space<hbm>> -> memref<128x256xf32, #tpu.memory_space<hbm>>
    %dma_wait3A_15 = arith.constant 0 : i32
    %dma_wait3A_16 = tpu.memref_slice %arg2[%mul3A_2, %dma_wait3A_15] : memref<4096x256xf32, #tpu.memory_space<hbm>> -> memref<128x256xf32, #tpu.memory_space<hbm>>
    tpu.wait_dma2 semaphore(%arg10 : memref<!tpu.dma_semaphore, #tpu.memory_space<semaphore_mem>>) src(%dma_wait3A_16 : memref<128x256xf32, #tpu.memory_space<hbm>>) dst(%arg7 : memref<128x256xf32, #tpu.memory_space<vmem>>)
    %parallel_loop3A_17 = arith.constant 0 : i32
    %parallel_loop3A_18 = arith.constant 128 : i32
    %parallel_loop3A_19 = arith.constant 1 : i32
    scf.for %parallel_loop3A_20 = %parallel_loop3A_17 to %parallel_loop3A_18 step %parallel_loop3A_19  : i32 {
      %parallel_loop3A_21 = arith.constant 0 : i32
      %parallel_loop3A_22 = vector.broadcast %parallel_loop3A_21 : i32 to vector<16xi32>
      %parallel_loop3A_23 = arith.muli %iota3A, %parallel_loop3A_22 : vector<16xi32>
      %parallel_loop3A_24 = vector.broadcast %parallel_loop3A_20 : i32 to vector<16xi32>
      %parallel_loop3A_25 = arith.addi %parallel_loop3A_23, %parallel_loop3A_24 : vector<16xi32>
      %parallel_loop3A_26 = tpu.vector_load_idx %arg6[%parallel_loop3A_25] : memref<128xi32, #tpu.memory_space<vmem>>[vector<16xi32>], vector<16xi32>,
      %parallel_loop3A_27 = arith.index_cast %parallel_loop3A_20 : i32 to index
      %parallel_loop3A_28 = arith.constant 0 : index
      %parallel_loop3A_29 = tpu.vector_load %arg7[%parallel_loop3A_27, %parallel_loop3A_28] {strides = array<i32>} : memref<128x256xf32, #tpu.memory_space<vmem>>, vector<16xf32>,
      %parallel_loop3A_30 = arith.constant 0 : i32
      %parallel_loop3A_31 = vector.broadcast %parallel_loop3A_30 : i32 to vector<16xi32>
      %parallel_loop3A_32 = arith.addi %parallel_loop3A_31, %iota3A : vector<16xi32>
      tpu.vector_store_idx %arg8[%parallel_loop3A_26, %parallel_loop3A_32], %parallel_loop3A_29 {add = true} : memref<128x256xf32, #tpu.memory_space<vmem>>[vector<16xi32>, vector<16xi32>], vector<16xf32>,
      %parallel_loop3A_33 = arith.mulf %parallel_loop3A_29, %parallel_loop3A_29 : vector<16xf32>
      %parallel_loop3A_34 = arith.index_cast %parallel_loop3A_20 : i32 to index
      %parallel_loop3A_35 = arith.constant 16 : index
      %parallel_loop3A_36 = tpu.vector_load %arg7[%parallel_loop3A_34, %parallel_loop3A_35] {strides = array<i32>} : memref<128x256xf32, #tpu.memory_space<vmem>>, vector<16xf32>,
      %parallel_loop3A_37 = arith.constant 16 : i32
      %parallel_loop3A_38 = vector.broadcast %parallel_loop3A_37 : i32 to vector<16xi32>
      %parallel_loop3A_39 = arith.addi %parallel_loop3A_38, %iota3A : vector<16xi32>
      tpu.vector_store_idx %arg8[%parallel_loop3A_26, %parallel_loop3A_39], %parallel_loop3A_36 {add = true} : memref<128x256xf32, #tpu.memory_space<vmem>>[vector<16xi32>, vector<16xi32>], vector<16xf32>,
      %parallel_loop3A_40 = arith.mulf %parallel_loop3A_36, %parallel_loop3A_36 : vector<16xf32>
      %parallel_loop3A_41 = arith.index_cast %parallel_loop3A_20 : i32 to index
      %parallel_loop3A_42 = arith.constant 32 : index
      %parallel_loop3A_43 = tpu.vector_load %arg7[%parallel_loop3A_41, %parallel_loop3A_42] {strides = array<i32>} : memref<128x256xf32, #tpu.memory_space<vmem>>, vector<16xf32>,
      %parallel_loop3A_44 = arith.constant 32 : i32
      %parallel_loop3A_45 = vector.broadcast %parallel_loop3A_44 : i32 to vector<16xi32>
      %parallel_loop3A_46 = arith.addi %parallel_loop3A_45, %iota3A : vector<16xi32>
      tpu.vector_store_idx %arg8[%parallel_loop3A_26, %parallel_loop3A_46], %parallel_loop3A_43 {add = true} : memref<128x256xf32, #tpu.memory_space<vmem>>[vector<16xi32>, vector<16xi32>], vector<16xf32>,
      %parallel_loop3A_47 = arith.mulf %parallel_loop3A_43, %parallel_loop3A_43 : vector<16xf32>
      %parallel_loop3A_48 = arith.index_cast %parallel_loop3A_20 : i32 to index
      %parallel_loop3A_49 = arith.constant 48 : index
      %parallel_loop3A_50 = tpu.vector_load %arg7[%parallel_loop3A_48, %parallel_loop3A_49] {strides = array<i32>} : memref<128x256xf32, #tpu.memory_space<vmem>>, vector<16xf32>,
      %parallel_loop3A_51 = arith.constant 48 : i32
      %parallel_loop3A_52 = vector.broadcast %parallel_loop3A_51 : i32 to vector<16xi32>
      %parallel_loop3A_53 = arith.addi %parallel_loop3A_52, %iota3A : vector<16xi32>
      tpu.vector_store_idx %arg8[%parallel_loop3A_26, %parallel_loop3A_53], %parallel_loop3A_50 {add = true} : memref<128x256xf32, #tpu.memory_space<vmem>>[vector<16xi32>, vector<16xi32>], vector<16xf32>,
      %parallel_loop3A_54 = arith.mulf %parallel_loop3A_50, %parallel_loop3A_50 : vector<16xf32>
      %parallel_loop3A_55 = arith.index_cast %parallel_loop3A_20 : i32 to index
      %parallel_loop3A_56 = arith.constant 64 : index
      %parallel_loop3A_57 = tpu.vector_load %arg7[%parallel_loop3A_55, %parallel_loop3A_56] {strides = array<i32>} : memref<128x256xf32, #tpu.memory_space<vmem>>, vector<16xf32>,
      %parallel_loop3A_58 = arith.constant 64 : i32
      %parallel_loop3A_59 = vector.broadcast %parallel_loop3A_58 : i32 to vector<16xi32>
      %parallel_loop3A_60 = arith.addi %parallel_loop3A_59, %iota3A : vector<16xi32>
      tpu.vector_store_idx %arg8[%parallel_loop3A_26, %parallel_loop3A_60], %parallel_loop3A_57 {add = true} : memref<128x256xf32, #tpu.memory_space<vmem>>[vector<16xi32>, vector<16xi32>], vector<16xf32>,
      %parallel_loop3A_61 = arith.mulf %parallel_loop3A_57, %parallel_loop3A_57 : vector<16xf32>
      %parallel_loop3A_62 = arith.index_cast %parallel_loop3A_20 : i32 to index
      %parallel_loop3A_63 = arith.constant 80 : index
      %parallel_loop3A_64 = tpu.vector_load %arg7[%parallel_loop3A_62, %parallel_loop3A_63] {strides = array<i32>} : memref<128x256xf32, #tpu.memory_space<vmem>>, vector<16xf32>,
      %parallel_loop3A_65 = arith.constant 80 : i32
      %parallel_loop3A_66 = vector.broadcast %parallel_loop3A_65 : i32 to vector<16xi32>
      %parallel_loop3A_67 = arith.addi %parallel_loop3A_66, %iota3A : vector<16xi32>
      tpu.vector_store_idx %arg8[%parallel_loop3A_26, %parallel_loop3A_67], %parallel_loop3A_64 {add = true} : memref<128x256xf32, #tpu.memory_space<vmem>>[vector<16xi32>, vector<16xi32>], vector<16xf32>,
      %parallel_loop3A_68 = arith.mulf %parallel_loop3A_64, %parallel_loop3A_64 : vector<16xf32>
      %parallel_loop3A_69 = arith.index_cast %parallel_loop3A_20 : i32 to index
      %parallel_loop3A_70 = arith.constant 96 : index
      %parallel_loop3A_71 = tpu.vector_load %arg7[%parallel_loop3A_69, %parallel_loop3A_70] {strides = array<i32>} : memref<128x256xf32, #tpu.memory_space<vmem>>, vector<16xf32>,
      %parallel_loop3A_72 = arith.constant 96 : i32
      %parallel_loop3A_73 = vector.broadcast %parallel_loop3A_72 : i32 to vector<16xi32>
      %parallel_loop3A_74 = arith.addi %parallel_loop3A_73, %iota3A : vector<16xi32>
      tpu.vector_store_idx %arg8[%parallel_loop3A_26, %parallel_loop3A_74], %parallel_loop3A_71 {add = true} : memref<128x256xf32, #tpu.memory_space<vmem>>[vector<16xi32>, vector<16xi32>], vector<16xf32>,
      %parallel_loop3A_75 = arith.mulf %parallel_loop3A_71, %parallel_loop3A_71 : vector<16xf32>
      %parallel_loop3A_76 = arith.index_cast %parallel_loop3A_20 : i32 to index
      %parallel_loop3A_77 = arith.constant 112 : index
      %parallel_loop3A_78 = tpu.vector_load %arg7[%parallel_loop3A_76, %parallel_loop3A_77] {strides = array<i32>} : memref<128x256xf32, #tpu.memory_space<vmem>>, vector<16xf32>,
      %parallel_loop3A_79 = arith.constant 112 : i32
      %parallel_loop3A_80 = vector.broadcast %parallel_loop3A_79 : i32 to vector<16xi32>
      %parallel_loop3A_81 = arith.addi %parallel_loop3A_80, %iota3A : vector<16xi32>
      tpu.vector_store_idx %arg8[%parallel_loop3A_26, %parallel_loop3A_81], %parallel_loop3A_78 {add = true} : memref<128x256xf32, #tpu.memory_space<vmem>>[vector<16xi32>, vector<16xi32>], vector<16xf32>,
      %parallel_loop3A_82 = arith.mulf %parallel_loop3A_78, %parallel_loop3A_78 : vector<16xf32>
      %parallel_loop3A_83 = arith.index_cast %parallel_loop3A_20 : i32 to index
      %parallel_loop3A_84 = arith.constant 128 : index
      %parallel_loop3A_85 = tpu.vector_load %arg7[%parallel_loop3A_83, %parallel_loop3A_84] {strides = array<i32>} : memref<128x256xf32, #tpu.memory_space<vmem>>, vector<16xf32>,
      %parallel_loop3A_86 = arith.constant 128 : i32
      %parallel_loop3A_87 = vector.broadcast %parallel_loop3A_86 : i32 to vector<16xi32>
      %parallel_loop3A_88 = arith.addi %parallel_loop3A_87, %iota3A : vector<16xi32>
      tpu.vector_store_idx %arg8[%parallel_loop3A_26, %parallel_loop3A_88], %parallel_loop3A_85 {add = true} : memref<128x256xf32, #tpu.memory_space<vmem>>[vector<16xi32>, vector<16xi32>], vector<16xf32>,
      %parallel_loop3A_89 = arith.mulf %parallel_loop3A_85, %parallel_loop3A_85 : vector<16xf32>
      %parallel_loop3A_90 = arith.index_cast %parallel_loop3A_20 : i32 to index
      %parallel_loop3A_91 = arith.constant 144 : index
      %parallel_loop3A_92 = tpu.vector_load %arg7[%parallel_loop3A_90, %parallel_loop3A_91] {strides = array<i32>} : memref<128x256xf32, #tpu.memory_space<vmem>>, vector<16xf32>,
      %parallel_loop3A_93 = arith.constant 144 : i32
      %parallel_loop3A_94 = vector.broadcast %parallel_loop3A_93 : i32 to vector<16xi32>
      %parallel_loop3A_95 = arith.addi %parallel_loop3A_94, %iota3A : vector<16xi32>
      tpu.vector_store_idx %arg8[%parallel_loop3A_26, %parallel_loop3A_95], %parallel_loop3A_92 {add = true} : memref<128x256xf32, #tpu.memory_space<vmem>>[vector<16xi32>, vector<16xi32>], vector<16xf32>,
      %parallel_loop3A_96 = arith.mulf %parallel_loop3A_92, %parallel_loop3A_92 : vector<16xf32>
      %parallel_loop3A_97 = arith.index_cast %parallel_loop3A_20 : i32 to index
      %parallel_loop3A_98 = arith.constant 160 : index
      %parallel_loop3A_99 = tpu.vector_load %arg7[%parallel_loop3A_97, %parallel_loop3A_98] {strides = array<i32>} : memref<128x256xf32, #tpu.memory_space<vmem>>, vector<16xf32>,
      %parallel_loop3A_100 = arith.constant 160 : i32
      %parallel_loop3A_101 = vector.broadcast %parallel_loop3A_100 : i32 to vector<16xi32>
      %parallel_loop3A_102 = arith.addi %parallel_loop3A_101, %iota3A : vector<16xi32>
      tpu.vector_store_idx %arg8[%parallel_loop3A_26, %parallel_loop3A_102], %parallel_loop3A_99 {add = true} : memref<128x256xf32, #tpu.memory_space<vmem>>[vector<16xi32>, vector<16xi32>], vector<16xf32>,
      %parallel_loop3A_103 = arith.mulf %parallel_loop3A_99, %parallel_loop3A_99 : vector<16xf32>
      %parallel_loop3A_104 = arith.index_cast %parallel_loop3A_20 : i32 to index
      %parallel_loop3A_105 = arith.constant 176 : index
      %parallel_loop3A_106 = tpu.vector_load %arg7[%parallel_loop3A_104, %parallel_loop3A_105] {strides = array<i32>} : memref<128x256xf32, #tpu.memory_space<vmem>>, vector<16xf32>,
      %parallel_loop3A_107 = arith.constant 176 : i32
      %parallel_loop3A_108 = vector.broadcast %parallel_loop3A_107 : i32 to vector<16xi32>
      %parallel_loop3A_109 = arith.addi %parallel_loop3A_108, %iota3A : vector<16xi32>
      tpu.vector_store_idx %arg8[%parallel_loop3A_26, %parallel_loop3A_109], %parallel_loop3A_106 {add = true} : memref<128x256xf32, #tpu.memory_space<vmem>>[vector<16xi32>, vector<16xi32>], vector<16xf32>,
      %parallel_loop3A_110 = arith.mulf %parallel_loop3A_106, %parallel_loop3A_106 : vector<16xf32>
      %parallel_loop3A_111 = arith.index_cast %parallel_loop3A_20 : i32 to index
      %parallel_loop3A_112 = arith.constant 192 : index
      %parallel_loop3A_113 = tpu.vector_load %arg7[%parallel_loop3A_111, %parallel_loop3A_112] {strides = array<i32>} : memref<128x256xf32, #tpu.memory_space<vmem>>, vector<16xf32>,
      %parallel_loop3A_114 = arith.constant 192 : i32
      %parallel_loop3A_115 = vector.broadcast %parallel_loop3A_114 : i32 to vector<16xi32>
      %parallel_loop3A_116 = arith.addi %parallel_loop3A_115, %iota3A : vector<16xi32>
      tpu.vector_store_idx %arg8[%parallel_loop3A_26, %parallel_loop3A_116], %parallel_loop3A_113 {add = true} : memref<128x256xf32, #tpu.memory_space<vmem>>[vector<16xi32>, vector<16xi32>], vector<16xf32>,
      %parallel_loop3A_117 = arith.mulf %parallel_loop3A_113, %parallel_loop3A_113 : vector<16xf32>
      %parallel_loop3A_118 = arith.index_cast %parallel_loop3A_20 : i32 to index
      %parallel_loop3A_119 = arith.constant 208 : index
      %parallel_loop3A_120 = tpu.vector_load %arg7[%parallel_loop3A_118, %parallel_loop3A_119] {strides = array<i32>} : memref<128x256xf32, #tpu.memory_space<vmem>>, vector<16xf32>,
      %parallel_loop3A_121 = arith.constant 208 : i32
      %parallel_loop3A_122 = vector.broadcast %parallel_loop3A_121 : i32 to vector<16xi32>
      %parallel_loop3A_123 = arith.addi %parallel_loop3A_122, %iota3A : vector<16xi32>
      tpu.vector_store_idx %arg8[%parallel_loop3A_26, %parallel_loop3A_123], %parallel_loop3A_120 {add = true} : memref<128x256xf32, #tpu.memory_space<vmem>>[vector<16xi32>, vector<16xi32>], vector<16xf32>,
      %parallel_loop3A_124 = arith.mulf %parallel_loop3A_120, %parallel_loop3A_120 : vector<16xf32>
      %parallel_loop3A_125 = arith.index_cast %parallel_loop3A_20 : i32 to index
      %parallel_loop3A_126 = arith.constant 224 : index
      %parallel_loop3A_127 = tpu.vector_load %arg7[%parallel_loop3A_125, %parallel_loop3A_126] {strides = array<i32>} : memref<128x256xf32, #tpu.memory_space<vmem>>, vector<16xf32>,
      %parallel_loop3A_128 = arith.constant 224 : i32
      %parallel_loop3A_129 = vector.broadcast %parallel_loop3A_128 : i32 to vector<16xi32>
      %parallel_loop3A_130 = arith.addi %parallel_loop3A_129, %iota3A : vector<16xi32>
      tpu.vector_store_idx %arg8[%parallel_loop3A_26, %parallel_loop3A_130], %parallel_loop3A_127 {add = true} : memref<128x256xf32, #tpu.memory_space<vmem>>[vector<16xi32>, vector<16xi32>], vector<16xf32>,
      %parallel_loop3A_131 = arith.mulf %parallel_loop3A_127, %parallel_loop3A_127 : vector<16xf32>
      %parallel_loop3A_132 = arith.index_cast %parallel_loop3A_20 : i32 to index
      %parallel_loop3A_133 = arith.constant 240 : index
      %parallel_loop3A_134 = tpu.vector_load %arg7[%parallel_loop3A_132, %parallel_loop3A_133] {strides = array<i32>} : memref<128x256xf32, #tpu.memory_space<vmem>>, vector<16xf32>,
      %parallel_loop3A_135 = arith.constant 240 : i32
      %parallel_loop3A_136 = vector.broadcast %parallel_loop3A_135 : i32 to vector<16xi32>
      %parallel_loop3A_137 = arith.addi %parallel_loop3A_136, %iota3A : vector<16xi32>
      tpu.vector_store_idx %arg8[%parallel_loop3A_26, %parallel_loop3A_137], %parallel_loop3A_134 {add = true} : memref<128x256xf32, #tpu.memory_space<vmem>>[vector<16xi32>, vector<16xi32>], vector<16xf32>,
      %parallel_loop3A_138 = arith.mulf %parallel_loop3A_134, %parallel_loop3A_134 : vector<16xf32>
      %parallel_loop3A_139 = arith.addf %parallel_loop3A_33, %parallel_loop3A_40 : vector<16xf32>
      %parallel_loop3A_140 = arith.addf %parallel_loop3A_47, %parallel_loop3A_54 : vector<16xf32>
      %parallel_loop3A_141 = arith.addf %parallel_loop3A_61, %parallel_loop3A_68 : vector<16xf32>
      %parallel_loop3A_142 = arith.addf %parallel_loop3A_75, %parallel_loop3A_82 : vector<16xf32>
      %parallel_loop3A_143 = arith.addf %parallel_loop3A_89, %parallel_loop3A_96 : vector<16xf32>
      %parallel_loop3A_144 = arith.addf %parallel_loop3A_103, %parallel_loop3A_110 : vector<16xf32>
      %parallel_loop3A_145 = arith.addf %parallel_loop3A_117, %parallel_loop3A_124 : vector<16xf32>
      %parallel_loop3A_146 = arith.addf %parallel_loop3A_131, %parallel_loop3A_138 : vector<16xf32>
      %parallel_loop3A_147 = arith.addf %parallel_loop3A_139, %parallel_loop3A_140 : vector<16xf32>
      %parallel_loop3A_148 = arith.addf %parallel_loop3A_141, %parallel_loop3A_142 : vector<16xf32>
      %parallel_loop3A_149 = arith.addf %parallel_loop3A_143, %parallel_loop3A_144 : vector<16xf32>
      %parallel_loop3A_150 = arith.addf %parallel_loop3A_145, %parallel_loop3A_146 : vector<16xf32>
      %parallel_loop3A_151 = arith.addf %parallel_loop3A_147, %parallel_loop3A_148 : vector<16xf32>
      %parallel_loop3A_152 = arith.addf %parallel_loop3A_149, %parallel_loop3A_150 : vector<16xf32>
      %parallel_loop3A_153 = arith.addf %parallel_loop3A_151, %parallel_loop3A_152 : vector<16xf32>
      tpu.vector_store_idx %arg9[%parallel_loop3A_26, %iota3A], %parallel_loop3A_153 {add = true} : memref<128x32xf32, #tpu.memory_space<vmem>>[vector<16xi32>, vector<16xi32>], vector<16xf32>,
    } {sc.loop_unroll_factor = 2 : i64, sc.parallel_access}
    "tpu.region"() ({
      %run_scoped3A = tpu.sem_alloc : memref<!tpu.dma_semaphore, #tpu.memory_space<semaphore_mem>>
      %dma_start3A_20 = arith.constant 0 : i32
      %dma_start3A_21 = arith.constant 0 : i32
      %dma_start3A_22 = tpu.memref_slice %arg4[%add3A, %dma_start3A_20, %dma_start3A_21] : memref<32x128x256xf32, #tpu.memory_space<hbm>> -> memref<1x128x256xf32, #tpu.memory_space<hbm>>
      %dma_start3A_23 = tpu.memref_squeeze %dma_start3A_22 : memref<1x128x256xf32, #tpu.memory_space<hbm>> -> memref<128x256xf32, #tpu.memory_space<hbm>>
      %dma_start3A_24 = arith.constant 0 : i32
      %dma_start3A_25 = arith.constant 0 : i32
      %dma_start3A_26 = tpu.memref_slice %arg4[%add3A, %dma_start3A_24, %dma_start3A_25] : memref<32x128x256xf32, #tpu.memory_space<hbm>> -> memref<1x128x256xf32, #tpu.memory_space<hbm>>
      %dma_start3A_27 = tpu.memref_squeeze %dma_start3A_26 : memref<1x128x256xf32, #tpu.memory_space<hbm>> -> memref<128x256xf32, #tpu.memory_space<hbm>>
      tpu.enqueue_dma source(%arg8 : memref<128x256xf32, #tpu.memory_space<vmem>>) target(%dma_start3A_27 : memref<128x256xf32, #tpu.memory_space<hbm>>) target_semaphore(%run_scoped3A : memref<!tpu.dma_semaphore, #tpu.memory_space<semaphore_mem>>)
      %dma_wait3A_28 = arith.constant 0 : i32
      %dma_wait3A_29 = arith.constant 0 : i32
      %dma_wait3A_30 = tpu.memref_slice %arg4[%add3A, %dma_wait3A_28, %dma_wait3A_29] : memref<32x128x256xf32, #tpu.memory_space<hbm>> -> memref<1x128x256xf32, #tpu.memory_space<hbm>>
      %dma_wait3A_31 = tpu.memref_squeeze %dma_wait3A_30 : memref<1x128x256xf32, #tpu.memory_space<hbm>> -> memref<128x256xf32, #tpu.memory_space<hbm>>
      %dma_wait3A_32 = arith.constant 0 : i32
      %dma_wait3A_33 = arith.constant 0 : i32
      %dma_wait3A_34 = tpu.memref_slice %arg4[%add3A, %dma_wait3A_32, %dma_wait3A_33] : memref<32x128x256xf32, #tpu.memory_space<hbm>> -> memref<1x128x256xf32, #tpu.memory_space<hbm>>
      %dma_wait3A_35 = tpu.memref_squeeze %dma_wait3A_34 : memref<1x128x256xf32, #tpu.memory_space<hbm>> -> memref<128x256xf32, #tpu.memory_space<hbm>>
      tpu.wait_dma2 semaphore(%run_scoped3A : memref<!tpu.dma_semaphore, #tpu.memory_space<semaphore_mem>>) src(%arg8 : memref<128x256xf32, #tpu.memory_space<vmem>>) dst(%dma_wait3A_35 : memref<128x256xf32, #tpu.memory_space<hbm>>)
      tpu.yield
    }) : () -> ()
    "tpu.region"() ({
      %run_scoped3A = tpu.sem_alloc : memref<!tpu.dma_semaphore, #tpu.memory_space<semaphore_mem>>
      %dma_start3A_20 = arith.constant 0 : i32
      %dma_start3A_21 = arith.constant 0 : i32
      %dma_start3A_22 = tpu.memref_slice %arg5[%add3A, %dma_start3A_20, %dma_start3A_21] : memref<32x128x32xf32, #tpu.memory_space<hbm>> -> memref<1x128x32xf32, #tpu.memory_space<hbm>>
      %dma_start3A_23 = tpu.memref_squeeze %dma_start3A_22 : memref<1x128x32xf32, #tpu.memory_space<hbm>> -> memref<128x32xf32, #tpu.memory_space<hbm>>
      %dma_start3A_24 = arith.constant 0 : i32
      %dma_start3A_25 = arith.constant 0 : i32
      %dma_start3A_26 = tpu.memref_slice %arg5[%add3A, %dma_start3A_24, %dma_start3A_25] : memref<32x128x32xf32, #tpu.memory_space<hbm>> -> memref<1x128x32xf32, #tpu.memory_space<hbm>>
      %dma_start3A_27 = tpu.memref_squeeze %dma_start3A_26 : memref<1x128x32xf32, #tpu.memory_space<hbm>> -> memref<128x32xf32, #tpu.memory_space<hbm>>
      tpu.enqueue_dma source(%arg9 : memref<128x32xf32, #tpu.memory_space<vmem>>) target(%dma_start3A_27 : memref<128x32xf32, #tpu.memory_space<hbm>>) target_semaphore(%run_scoped3A : memref<!tpu.dma_semaphore, #tpu.memory_space<semaphore_mem>>)
      %dma_wait3A_28 = arith.constant 0 : i32
      %dma_wait3A_29 = arith.constant 0 : i32
      %dma_wait3A_30 = tpu.memref_slice %arg5[%add3A, %dma_wait3A_28, %dma_wait3A_29] : memref<32x128x32xf32, #tpu.memory_space<hbm>> -> memref<1x128x32xf32, #tpu.memory_space<hbm>>
      %dma_wait3A_31 = tpu.memref_squeeze %dma_wait3A_30 : memref<1x128x32xf32, #tpu.memory_space<hbm>> -> memref<128x32xf32, #tpu.memory_space<hbm>>
      %dma_wait3A_32 = arith.constant 0 : i32
      %dma_wait3A_33 = arith.constant 0 : i32
      %dma_wait3A_34 = tpu.memref_slice %arg5[%add3A, %dma_wait3A_32, %dma_wait3A_33] : memref<32x128x32xf32, #tpu.memory_space<hbm>> -> memref<1x128x32xf32, #tpu.memory_space<hbm>>
      %dma_wait3A_35 = tpu.memref_squeeze %dma_wait3A_34 : memref<1x128x32xf32, #tpu.memory_space<hbm>> -> memref<128x32xf32, #tpu.memory_space<hbm>>
      tpu.wait_dma2 semaphore(%run_scoped3A : memref<!tpu.dma_semaphore, #tpu.memory_space<semaphore_mem>>) src(%arg9 : memref<128x32xf32, #tpu.memory_space<vmem>>) dst(%dma_wait3A_35 : memref<128x32xf32, #tpu.memory_space<hbm>>)
      tpu.yield
    }) : () -> ()
    return
  }
}

module attributes {stable_mosaic.version = 14 : i64} {
  func.func @_combine_body(%arg0: memref<32x128x256xf32, #tpu.memory_space<vmem>>, %arg1: memref<32x128x32xf32, #tpu.memory_space<vmem>>, %arg2: memref<1x1xf32, #tpu.memory_space<vmem>>) attributes {dimension_semantics = [], scalar_prefetch = 0 : i64, scratch_operands = 0 : i64, tpu.core_type = #tpu.core_type<tc>} {
    %get3A = arith.constant 0 : index
    %get3A_0 = arith.constant 0 : index
    %get3A_1 = arith.constant 0 : index
    %get3A_2 = vector.load %arg0[%get3A, %get3A_0, %get3A_1] : memref<32x128x256xf32, #tpu.memory_space<vmem>>, vector<32x128x256xf32>
    %reduce_sum3A = arith.constant dense<0.000000e+00> : vector<128x256xf32>
    %reduce_sum3A_3 = vector.multi_reduction <add>, %get3A_2, %reduce_sum3A [0] : vector<32x128x256xf32> to vector<128x256xf32>
    %get3A_4 = arith.constant 0 : index
    %get3A_5 = arith.constant 0 : index
    %get3A_6 = arith.constant 0 : index
    %get3A_7 = vector.load %arg1[%get3A_4, %get3A_5, %get3A_6] : memref<32x128x32xf32, #tpu.memory_space<vmem>>, vector<32x128x32xf32>
    %reduce_sum3A_8 = arith.constant dense<0.000000e+00> : vector<128x32xf32>
    %reduce_sum3A_9 = vector.multi_reduction <add>, %get3A_7, %reduce_sum3A_8 [0] : vector<32x128x32xf32> to vector<128x32xf32>
    %slice3A = vector.extract_strided_slice %reduce_sum3A_9 {offsets = [0, 0], sizes = [128, 16], strides = [1, 1]} : vector<128x32xf32> to vector<128x16xf32>
    %reduce_sum3A_10 = arith.constant dense<0.000000e+00> : vector<128xf32>
    %reduce_sum3A_11 = vector.multi_reduction <add>, %slice3A, %reduce_sum3A_10 [1] : vector<128x16xf32> to vector<128xf32>
    %slice3A_12 = vector.extract_strided_slice %reduce_sum3A_9 {offsets = [0, 16], sizes = [128, 16], strides = [1, 1]} : vector<128x32xf32> to vector<128x16xf32>
    %reduce_sum3A_13 = arith.constant dense<0.000000e+00> : vector<128xf32>
    %reduce_sum3A_14 = vector.multi_reduction <add>, %slice3A_12, %reduce_sum3A_13 [1] : vector<128x16xf32> to vector<128xf32>
    %max3A = arith.constant 1.000000e+00 : f32
    %max3A_15 = vector.broadcast %max3A : f32 to vector<128xf32>
    %max3A_16 = arith.maximumf %reduce_sum3A_14, %max3A_15 : vector<128xf32>
    %mul3A = arith.mulf %reduce_sum3A_3, %reduce_sum3A_3 : vector<128x256xf32>
    %reduce_sum3A_17 = arith.constant dense<0.000000e+00> : vector<128xf32>
    %reduce_sum3A_18 = vector.multi_reduction <add>, %mul3A, %reduce_sum3A_17 [1] : vector<128x256xf32> to vector<128xf32>
    %div3A = arith.divf %reduce_sum3A_18, %max3A_16 : vector<128xf32>
    %sub3A = arith.subf %reduce_sum3A_11, %div3A : vector<128xf32>
    %mul3A_19 = arith.constant 2.560000e+02 : f32
    %mul3A_20 = vector.broadcast %mul3A_19 : f32 to vector<128xf32>
    %mul3A_21 = arith.mulf %max3A_16, %mul3A_20 : vector<128xf32>
    %div3A_22 = arith.divf %sub3A, %mul3A_21 : vector<128xf32>
    %gt3A = arith.constant 1.000000e+00 : f32
    %gt3A_23 = vector.broadcast %gt3A : f32 to vector<128xf32>
    %gt3A_24 = arith.cmpf ogt, %reduce_sum3A_14, %gt3A_23 : vector<128xf32>
    %convert_element_type3A = arith.extui %gt3A_24 : vector<128xi1> to vector<128xi32>
    %convert_element_type3A_25 = arith.sitofp %convert_element_type3A : vector<128xi32> to vector<128xf32>
    %mul3A_26 = arith.mulf %div3A_22, %convert_element_type3A_25 : vector<128xf32>
    %reduce_sum3A_27 = vector.shape_cast %mul3A_26 : vector<128xf32> to vector<1x128xf32>
    %reduce_sum3A_28 = arith.constant dense<0.000000e+00> : vector<1xf32>
    %reduce_sum3A_29 = vector.multi_reduction <add>, %reduce_sum3A_27, %reduce_sum3A_28 [1] : vector<1x128xf32> to vector<1xf32>
    %reduce_sum3A_30 = vector.shape_cast %reduce_sum3A_29 : vector<1xf32> to vector<1x1xf32>
    %reduce_sum3A_31 = vector.extract %reduce_sum3A_30[0, 0] : f32 from vector<1x1xf32>
    %reduce_sum3A_32 = vector.shape_cast %convert_element_type3A_25 : vector<128xf32> to vector<1x128xf32>
    %reduce_sum3A_33 = arith.constant dense<0.000000e+00> : vector<1xf32>
    %reduce_sum3A_34 = vector.multi_reduction <add>, %reduce_sum3A_32, %reduce_sum3A_33 [1] : vector<1x128xf32> to vector<1xf32>
    %reduce_sum3A_35 = vector.shape_cast %reduce_sum3A_34 : vector<1xf32> to vector<1x1xf32>
    %reduce_sum3A_36 = vector.extract %reduce_sum3A_35[0, 0] : f32 from vector<1x1xf32>
    %gt3A_37 = arith.constant 0.000000e+00 : f32
    %gt3A_38 = arith.cmpf ogt, %reduce_sum3A_36, %gt3A_37 : f32
    %mul3A_39 = arith.constant 5.000000e-02 : f32
    %mul3A_40 = arith.mulf %mul3A_39, %reduce_sum3A_31 : f32
    %max3A_41 = arith.constant 1.000000e+00 : f32
    %max3A_42 = arith.maximumf %reduce_sum3A_36, %max3A_41 : f32
    %div3A_43 = arith.divf %mul3A_40, %max3A_42 : f32
    %jit3A = arith.constant 0.000000e+00 : f32
    %select_n3A = arith.select %gt3A_38, %div3A_43, %jit3A : f32
    %reshape3A = vector.broadcast %select_n3A : f32 to vector<1x1xf32>
    %swap3A = arith.constant 0 : index
    %swap3A_44 = arith.constant 0 : index
    %swap3A_45 = vector.load %arg2[%swap3A, %swap3A_44] : memref<1x1xf32, #tpu.memory_space<vmem>>, vector<1x1xf32>
    tpu.vector_store %arg2[%swap3A, %swap3A_44], %reshape3A {strides = array<i32>} : memref<1x1xf32, #tpu.memory_space<vmem>>, vector<1x1xf32>,
    return
  }
}

</mosaic_0001>

<sc_bundles>
// kernel: kernel.4.cloned.1.call-start
scs
__scs_entry_jumppad:
0x0: {  	(pc) =	sbr.rel $0x88, $3  }
0x1: {  	(tag) =	ssettag $0x0;
	lr =	simm.s32 $0x1  }
0x2: {  	[smem:$0x3F9F] =	sst lr;
	_ =	strace $0xD0000000  }
0x3: {  	_ = 	snop  }
0x4: {  	_ = 	snop  }
0x5: {  	_ = 	snop  }
0x6: {  	_ = 	snop  }
0x7: {  	_ = 	snop  }
__scs_overlays_trampoline_lowered:
0x8: {  	[smem:$0x3FAE] =	sst s0  }
0x9: {  	[smem:$0x3FAF] =	sst s1  }
0xa: {  	[smem:$0x3FB0] =	sst s2  }
0xb: {  	[smem:$0x3FB1] =	sst s3  }
0xc: {  	[smem:$0x3FB2] =	sst s4  }
0xd: {  	[smem:$0x3FB3] =	sst s5  }
0xe: {  	[smem:$0x3FB4] =	sst s6  }
0xf: {  	[smem:$0x3FB5] =	sst s7  }
0x10: {  	[smem:$0x3FB6] =	sst s8  }
0x11: {  	[smem:$0x3FB7] =	sst s9;
	s0 =	simm.s32 @!p0 $0x0  }
0x12: {  	s1 =	sld [smem:$0x3F9D];
	s0 =	simm.s32 @p0 $0x1  }
0x13: {  	[smem:$0x3FB8] =	sst s0;
	s0 =	simm.s32 @!p1 $0x0  }
0x14: {  	s2 =	sld [smem:$0x3F9C];
	s0 =	simm.s32 @p1 $0x1  }
0x15: {  	[smem:$0x3FB9] =	sst s0;
	s0 =	simm.s32 @!p2 $0x0  }
0x16: {  	s3 =	sld [smem:$0x3FDB];
	s0 =	simm.s32 @p2 $0x1  }
0x17: {  	s4 =	simm.s32 $0x1BF5;
	[smem:$0x3FBB] =	sst s0  }
0x18: {  	s0 =	sld [smem:$0x3F9E];
	_ =	swait.ge [sflag:s4], $0x0  }
0x19: {  	s7 =	sld [smem:$0x3F9F]  }
0x1a: {  	s8 =	sadd.s32 $0xFFFFE003, lr  }
0x1b: {  	s9 =	sadd.s32 $0xFFFFFEF7, lr;
	s5 =	simm.s32 $0xFFFFFFFF;
	p2 =	slt.u32 s8, $0xFFFFF086  }
0x1c: {  	p1 =	slt.u32 s9, $0xF7A;
	s5 =	simm.s32 @!p2 $0x0  }
0x1d: {  	s5 =	simm.s32 @p1 $0x1;
	p0 =	seq.s32 s7, s2  }
0x1e: {  	s7 =	smul.u32 @!p0 $0xF7A, s2;
	p2 =	seq.s32 @!p0 s5, $0x0  }
0x1f: {  	s9 =	smul.u32 $0xF7A, s1;
	s8 =	simm.s32 @!p0 $0x1BF5;
	p2 =	por !p2, p0  }
0x20: {  	[sflag:s8] =	ssyncset.s32 @!p0 $0xFFFFF086;
	s6 =	sadd.s32 @!p0 s3, s7;
	s7 =	simm.s32 @!p0 $0x108  }
0x21: {  	s3 =	sadd.s32 s3, s9;
	s6 =	sadd.s32 @!p0 $0x88, s6;
	s7 =	simm.s32 @p2 $0x1082  }
0x22: {  	[simem:s7], [sflag:s8] =	dma.local @!p0 [hbm:s6], $0xF7A  }
0x23: {  	s9 =	sor.u32 $0xD0000000, s2;
	s6 =	simm.s32 $0x108;
	_ =	swait.ge @!p0 [sflag:s8], $0x0  }
0x24: {  	s3 =	sadd.s32 $0x88, s3;
	s6 =	simm.s32 @!p1 $0x1082;
	[sflag:s4] =	ssyncset.s32 $0xFFFFF086  }
0x25: {  	[simem:s6], [sflag:s4] =	dma.local [hbm:s3], $0xF7A  }
0x26: {  	[smem:$0x3F9F] =	sst s1;
	(tag) =	ssettag s2;
	_ =	strace s9  }
0x27: {  	s1 =	sld [smem:$0x3FAF]  }
0x28: {  	s2 =	sld [smem:$0x3FB0]  }
0x29: {  	s4 =	sld [smem:$0x3FB2]  }
0x2a: {  	p0 =	seq.s32 s5, $0x0;
	s5 =	sld [smem:$0x3FB3]  }
0x2b: {  	s6 =	sld [smem:$0x3FB4]  }
0x2c: {  	s7 =	sld [smem:$0x3FB5]  }
0x2d: {  	s3 =	simm.s32 $0x108;
	s8 =	sld [smem:$0x3FB6]  }
0x2e: {  	s3 =	simm.s32 @!p0 $0x1082;
	s9 =	sld [smem:$0x3FB7]  }
0x2f: {  	lr =	sadd.s32 s0, s3;
	s0 =	sld [smem:$0x3FAE]  }
0x30: {  	s3 =	sld [smem:$0x3FB1]  }
0x31: {  	[smem:$0x3FBA] =	sst s10  }
0x32: {  	s10 =	sld [smem:$0x3FB8];
	_ =	sdelay $0x3  }
0x33: {  	p0 =	seq.s32 s10, $0x1;
	s10 =	sld [smem:$0x3FBA];
	_ =	sdelay $0x3  }
0x34: {  	[smem:$0x3FBA] =	sst s10  }
0x35: {  	s10 =	sld [smem:$0x3FB9];
	_ =	sdelay $0x3  }
0x36: {  	p1 =	seq.s32 s10, $0x1;
	s10 =	sld [smem:$0x3FBA];
	_ =	sdelay $0x3  }
0x37: {  	[smem:$0x3FBA] =	sst s10  }
0x38: {  	s10 =	sld [smem:$0x3FBB]  }
0x39: {  	_ = 	snop;
	(pc) =	sbr.ind lr, $3  }
0x3a: {  	_ = 	snop  }
0x3b: {  	_ = 	snop  }
0x3c: {  	p2 =	seq.s32 s10, $0x1;
	s10 =	sld [smem:$0x3FBA]  }
0x3d: {  	_ =	shalt  }
0x3e: {  	_ =	shalt  }
0x3f: {  	_ =	shalt  }
0x40: {  	_ =	shalt  }
0x41: {  	_ =	shalt  }
0x42: {  	_ =	shalt  }
0x43: {  	_ =	shalt  }
0x44: {  	_ =	shalt  }
0x45: {  	_ =	shalt  }
0x46: {  	_ =	shalt  }
0x47: {  	_ =	shalt  }
0x48: {  	_ =	shalt  }
0x49: {  	_ =	shalt  }
0x4a: {  	_ =	shalt  }
0x4b: {  	_ =	shalt  }
0x4c: {  	_ =	shalt  }
0x4d: {  	_ =	shalt  }
0x4e: {  	_ =	shalt  }
0x4f: {  	_ =	shalt  }
0x50: {  	_ =	shalt  }
0x51: {  	_ =	shalt  }
0x52: {  	_ =	shalt  }
0x53: {  	_ =	shalt  }
0x54: {  	_ =	shalt  }
0x55: {  	_ =	shalt  }
0x56: {  	_ =	shalt  }
0x57: {  	_ =	shalt  }
0x58: {  	_ =	shalt  }
0x59: {  	_ =	shalt  }
0x5a: {  	_ =	shalt  }
0x5b: {  	_ =	shalt  }
0x5c: {  	_ =	shalt  }
0x5d: {  	_ =	shalt  }
0x5e: {  	_ =	shalt  }
0x5f: {  	_ =	shalt  }
0x60: {  	_ =	shalt  }
0x61: {  	_ =	shalt  }
0x62: {  	_ =	shalt  }
0x63: {  	_ =	shalt  }
0x64: {  	_ =	shalt  }
0x65: {  	_ =	shalt  }
0x66: {  	_ =	shalt  }
0x67: {  	_ =	shalt  }
0x68: {  	_ =	shalt  }
0x69: {  	_ =	shalt  }
0x6a: {  	_ =	shalt  }
0x6b: {  	_ =	shalt  }
0x6c: {  	_ =	shalt  }
0x6d: {  	_ =	shalt  }
0x6e: {  	_ =	shalt  }
0x6f: {  	_ =	shalt  }
0x70: {  	_ =	shalt  }
0x71: {  	_ =	shalt  }
0x72: {  	_ =	shalt  }
0x73: {  	_ =	shalt  }
0x74: {  	_ =	shalt  }
0x75: {  	_ =	shalt  }
0x76: {  	_ =	shalt  }
0x77: {  	_ =	shalt  }
0x78: {  	_ =	shalt  }
0x79: {  	_ =	shalt  }
0x7a: {  	_ =	shalt  }
0x7b: {  	_ =	shalt  }
0x7c: {  	_ =	shalt  }
0x7d: {  	_ =	shalt  }
0x7e: {  	_ =	shalt  }
0x7f: {  	_ =	shalt  }
0x80: {  	_ =	shalt  }
0x81: {  	_ =	shalt  }
0x82: {  	_ =	shalt  }
0x83: {  	_ =	shalt  }
0x84: {  	_ =	shalt  }
0x85: {  	_ =	shalt  }
0x86: {  	_ =	shalt  }
0x87: {  	_ =	shalt  }
.Lfunc_end0:
.L_simem_size_0:
called_computation_lowered:
.L_overlay_start_0:
0x88: {  	s2 =	sld [smem:$0x3FD9]  }
0x89: {  	s3 =	sld [smem:$0x3FFE];
	_ =	sdelay $0x1  }
0x8a: {  	s1 =	srdreg.scid  }
0x8b: {  	s0 =	sand.u32 $0x1, s1  }
0x8c: {  	s17 =	sshll.u32 s0, $0xA;
	s2 =	sadd.s32 s3, s2  }
0x8d: {  	s2 =	sadd.s32 s2, s17  }
0x8e: {  	[smem:$0x3FC6] =	sst s2  }
0x8f: {  	_ = 	snop  }
0x90: {  	s2 =	sld [smem:$0x3FC9]  }
0x91: {  	s18 =	sld [smem:$0x3FC8];
	(tm) =	ssettm $0x1  }
0x92: {  	s4 =	sld [smem:$0x3FFB];
	_ =	sdelay $0x3  }
0x93: {  	_ =	strace s4  }
0x94: {  	s4 =	sld [smem:$0x3FFC];
	_ =	sdelay $0x3  }
0x95: {  	_ =	strace s4  }
0x96: {  	s4 =	sld [smem:$0x3FFD];
	_ =	sdelay $0x3  }
0x97: {  	_ =	strace s4  }
0x98: {  	_ =	strace $0x8FFFFFFF  }
0x99: {  	s19 =	sld [smem:$0x3FDB];
	_ =	sdelay $0x1  }
0x9a: {  	s5 =	simm.s32 $_scs_section_size  }
0x9b: {  	s6 =	simm.s32 $_size__tile_overlayer_lowered;
	s7 =	simm.s32 $_tile_overlayer_lowered  }
0x9c: {  	s22 =	simm.s32 $0x1BFF;
	s21 =	sshll.u32 s7, $0x1;
	s4 =	sadd.s32 s5, s19  }
0x9d: {  	s8 =	simm.s32 $0x0;
	s20 =	sshll.u32 s6, $0x1;
	s6 =	sadd.s32 s21, s4  }
0x9e: {  	[timem:s8], [sflag:s22] =	dma.local [hbm:s6], s20  }
0x9f: {  	_ =	swait.ge [sflag:s22], s20  }
0xa0: {  	s5 =	ssub.s32 $0x0, s20;
	[sflag:s22] =	ssyncset.done $0x0  }
0xa1: {  	[sflag:s22] =	ssyncadd.s32 s5;
	_ =	sdelay $0x1  }
0xa2: {  	s23 =	simm.s32 $0x1B8B  }
0xa3: {  	_ =	swait.ge [sflag:s23], $0x1  }
0xa4: {  	[sflag:s23] =	ssyncset.done $0x0  }
0xa5: {  	s25 =	simm.s32 $0x1B8E;
	s24 =	sld [smem:$0x3FFE];
	[sflag:s23] =	ssyncadd.s32 $0xFFFFFFFF  }
0xa6: {  	s26 =	simm.s32 $execute0_lowered;
	[smem:$0x3FD2] =	sst s25  }
0xa7: {  	s6 =	sshll.u32 s26, $0x1;
	_ =	strace $0x80000046;
	[dreg:$0x1] =	wrdreg $0xFFFFFFFF  }
0xa8: {  	s28 =	simm.s32 $_size_execute0_lowered;
	s4 =	sadd.s32 s4, s6;
	[dreg:$0x0] =	wrdreg $0x0  }
0xa9: {  	s6 =	sshll.u32 s28, $0x1;
	[dreg:$0x2] =	wrdreg s4  }
0xaa: {  	[dreg:$0x3] =	wrdreg s6  }
0xab: {  	[dreg:$0x4] =	wrdreg $0xC0  }
0xac: {  	_ =	task [dreg:s8], $0x5FFFF  }
0xad: {  	[dreg:$0x1] =	wrdreg $0xFFFFFFFF  }
0xae: {  	[dreg:$0x0] =	wrdreg $0x60  }
0xaf: {  	[dreg:$0x2] =	wrdreg s2  }
0xb0: {  	[dreg:$0x3] =	wrdreg s18  }
0xb1: {  	[dreg:$0x4] =	wrdreg s24  }
0xb2: {  	[dreg:$0x5] =	wrdreg $0x9  }
0xb3: {  	_ =	task.clear_ibuf [dreg:s8], $0x6FFFF;
	_ =	strace $0x90000046  }
0xb4: {  	s29 =	simm.s32 $0x9;
	_ =	strace $0x80000048  }
0xb5: {  	_ =	swait.ge [sflag:s29], $0x1  }
0xb6: {  	[sflag:s29] =	ssyncadd.s32 $0xFFFFFFFF  }
0xb7: {  	_ =	strace $0x90000048  }
0xb8: {  	_ =	sfence  }
0xb9: {  	s30 =	sld [smem:$0x0];
	_ =	sdelay $0x2  }
0xba: {  	s31 =	sshll.u32 s1, $0xD;
	s1 =	sshrl.u32 s1, $0x2  }
0xbb: {  	s3 =	sand.u32 $0x4000, s31;
	s1 =	sadd.s32 s1, s30  }
0xbc: {  	s0 =	sor.u32 s3, s0;
	s1 =	sshll.u32 s1, $0x11  }
0xbd: {  	s0 =	sor.u32 s1, s0  }
0xbe: {  	s0 =	sadd.s32 $0x8F2B, s0  }
0xbf: {  	[sflag:s0] =	ssyncadd.remote.s32 $0x1  }
0xc0: {  	_ =	sfence.sel $0xFFFF  }
0xc1: {  	[dreg:$0x0] =	wrdreg $0xFFFFFFFF;
	(pc) =	sbr.abs _section_cstart, $3  }
0xc2: {  	[dreg:$0x1] =	wrdreg $0xFFFFFFFF  }
0xc3: {  	_ =	task.clear_ibuf [dreg:s8], $0x2FFFF;
	_ =	strace $0x9FFFFFFF  }
0xc4: {  	(tm) =	ssettm $0x7FFFFFFF  }
0xc5: {  	_ =	shalt  }
tec
execute0_lowered:
.L_overlay_start_1:
0x0: {  	(tag) =	ssettag $0x1  }
0x1: {  	s0 =	rddreg [dreg:$0x0]  }
0x2: {  	s1 =	rddreg [dreg:$0x1]  }
0x3: {  	s3 =	rddreg [dreg:$0x2]  }
0x4: {  	s4 =	srdreg.scid;
	s2 =	stileid.u32  }
0x5: {  	s9 =	simm.s32 $0x0;
	s4 =	sand.u32 $0x1, s4;
	s5 =	sshll.u32 s2, $0x1  }
0x6: {  	[smem:$0x7FF] =	sst s9;
	s5 =	sor.u32 s4, s5;
	s4 =	ssub.s32 $0x2, s4  }
0x7: {  	s6 =	sshll.u32 s5, $0xC;
	s8 =	sshll.u32 s5, $0xB;
	s5 =	sshll.u32 s5, $0x4  }
0x8: {  	v0 =	vlaneseq.u32;
	v1 =	vimm.f32 $0.0e+00;
	v3 =	vimm.f32 $1.000000000e+00;
	_ =	strace $0x80000047;
	s28 =	sshrl.u32 s4, $0x1;
	s1 =	sadd.s32 s1, s5  }
0x9: {  	v2 =	vor.u32 $0x10, v0;
	v4 =	vor.u32 $0x20, v0;
	v5 =	vor.u32 $0x30, v0;
	s7 =	sadd.s32 s6, s3;
	s0 =	sadd.s32 s0, s6;
	[dreg:$0x4] =	wrdreg s1  }
0xa: {  	v6 =	vor.u32 $0x40, v0;
	v7 =	vor.u32 $0x50, v0;
	v8 =	vor.u32 $0x60, v0;
	s3 =	sadd.s32 s8, s3;
	[dreg:$0x5] =	wrdreg s0;
	s29 =	sadd.s32 $0xC00, s7  }
0xb: {  	v9 =	vor.u32 $0x70, v0;
	v10 =	vor.u32 $0x400, v0;
	v11 =	vor.u32 $0x410, v0;
	s4 =	ssub.s32 s4, s28;
	s30 =	sadd.s32 $0x20C00, s3;
	[dreg:$0x6] =	wrdreg s29  }
0xc: {  	s12 =	simm.s32 $0x8080;
	v12 =	vor.u32 $0x420, v0;
	v13 =	vor.u32 $0x430, v0;
	v14 =	vor.u32 $0x440, v0;
	s31 =	smax.u32 s4, $0x1;
	[dreg:$0x7] =	wrdreg s30  }
0xd: {  	v15 =	vor.u32 $0x450, v0;
	v16 =	vor.u32 $0x460, v0;
	v17 =	vor.u32 $0x470, v0;
	s2 =	simm.s32 $0x0;
	s1 =	simm.s32 $0x2;
	[dreg:$0x8] =	wrdreg s31  }
.LBB2_1:
0xe: {  	[dreg:$0x9] =	wrdreg s2  }
0xf: {  	s0 =	rddreg [dreg:$0x4];
	s18 =	simm.s32 $0x80  }
0x10: {  	[tilespmem:s9], [sflag:$0x2] =	stream.linear.gather [hbm4b:s0+s9], $0x80, $0x38;
	[tilespmem:$0x14080] =	vst v63  }
0x11: {  	s19 =	simm.s32 $0x180;
	s20 =	sand.u32 $0x7800, s9;
	_ =	swait.ge [sflag:s1], $0x80  }
0x12: {  	s0 =	sand.u32 $0x380, s19;
	s3 =	sor.u32 $0x8080, s20;
	[sflag:s1] =	ssyncset.done $0x0  }
0x13: {  	s17 =	rddreg [dreg:$0x5];
	[sflag:s1] =	ssyncadd.s32 $0xFFFFFF80;
	s1 =	sadd.s32 s0, s3  }
0x14: {  	[tilespmem:s18], [sflag:$0x1] =	stream.linear.gather [hbm4b:s17+s9], $0x8000, $0x38;
	[tilespmem:$0x14080] =	vst v63  }
0x15: {  	[tilespmem:s1+$0x40] =	vst v1  }
0x16: {  	[tilespmem:s1+$0x20] =	vst v1  }
0x17: {  	[tilespmem:s1+$0x30] =	vst v1  }
0x18: {  	[tilespmem:s1+$0x50] =	vst v1  }
0x19: {  	[tilespmem:s1+$0x60] =	vst v1  }
0x1a: {  	s4 =	simm.s32 $0x100;
	[tilespmem:s1+$0x0] =	vst v1  }
0x1b: {  	s4 =	sand.u32 $0x300, s4;
	[tilespmem:s1+$0x70] =	vst v1  }
0x1c: {  	s4 =	sor.u32 s4, s3;
	[tilespmem:s1+$0x10] =	vst v1  }
0x1d: {  	[tilespmem:s4+$0x20] =	vst v1  }
0x1e: {  	[tilespmem:s4+$0x70] =	vst v1  }
0x1f: {  	[tilespmem:s4+$0x60] =	vst v1  }
0x20: {  	s21 =	sand.u32 $0x7, s9;
	[tilespmem:s4+$0x50] =	vst v1  }
0x21: {  	s0 =	sshll.u32 s21, $0x7;
	[tilespmem:s4+$0x40] =	vst v1  }
0x22: {  	s0 =	sadd.s32 $0x0, s0;
	[tilespmem:s4+$0x10] =	vst v1  }
0x23: {  	s24 =	simm.s32 $0x80;
	s15 =	sadd.s32 $0x180, s0;
	[tilespmem:s4+$0x0] =	vst v1  }
0x24: {  	s1 =	sand.u32 $0x280, s24;
	[tilespmem:s4+$0x30] =	vst v1;
	s22 =	sor.u32 $0x400, s15  }
0x25: {  	s25 =	sadd.s32 s1, s3;
	[tilespmem:s22+$0x8080] =	vst v1  }
0x26: {  	[tilespmem:s25+$0x60] =	vst v1  }
0x27: {  	[tilespmem:s25+$0x70] =	vst v1  }
0x28: {  	s29 =	simm.s32 $0x0;
	[tilespmem:s25+$0x40] =	vst v1  }
0x29: {  	s4 =	sand.u32 $0x200, s29;
	[tilespmem:s25+$0x50] =	vst v1  }
0x2a: {  	s3 =	sor.u32 s4, s3;
	[tilespmem:s25+$0x30] =	vst v1  }
0x2b: {  	[tilespmem:s3+$0x50] =	vst v1  }
0x2c: {  	[tilespmem:s3+$0x0] =	vst v1  }
0x2d: {  	[tilespmem:s3+$0x40] =	vst v1  }
0x2e: {  	[tilespmem:s3+$0x10] =	vst v1  }
0x2f: {  	[tilespmem:s3+$0x20] =	vst v1  }
0x30: {  	[tilespmem:s3+$0x30] =	vst v1  }
0x31: {  	[tilespmem:s3+$0x60] =	vst v1  }
0x32: {  	s5 =	sand.u32 $0x3, s9;
	[tilespmem:s25+$0x20] =	vst v1  }
0x33: {  	s5 =	sshll.u32 s5, $0x8;
	[tilespmem:s25+$0x10] =	vst v1  }
0x34: {  	s26 =	sadd.s32 $0x0, s5;
	[tilespmem:s3+$0x70] =	vst v1  }
0x35: {  	s23 =	sor.u32 $0x410, s15;
	s1 =	sadd.s32 $0x100, s26;
	[tilespmem:s25+$0x0] =	vst v1  }
0x36: {  	s0 =	sadd.s32 $0x80, s0;
	s28 =	sor.u32 $0x400, s1;
	[tilespmem:s23+$0x8080] =	vst v1  }
0x37: {  	s13 =	sor.u32 $0x400, s0;
	[tilespmem:s28+$0x8080] =	vst v1  }
0x38: {  	s16 =	sor.u32 $0x410, s0;
	[tilespmem:s13+$0x8080] =	vst v1  }
0x39: {  	s18 =	sor.u32 $0x410, s1;
	[tilespmem:s16+$0x8080] =	vst v1  }
0x3a: {  	p0 =	por $0x0, $0x0;
	s4 =	simm.s32 $0x1;
	s24 =	sor.u32 $0x420, s15;
	[tilespmem:s18+$0x8080] =	vst v1  }
0x3b: {  	s17 =	sor.u32 $0x420, s0;
	s4 =	simm.s32 @!p0 $0x0;
	[tilespmem:s24+$0x8080] =	vst v1  }
0x3c: {  	s19 =	sor.u32 $0x420, s1;
	s4 =	sshll.u32 s4, $0x9;
	[tilespmem:s17+$0x8080] =	vst v1  }
0x3d: {  	s25 =	sor.u32 $0x430, s15;
	s4 =	sadd.s32 $0x0, s4;
	[tilespmem:s19+$0x8080] =	vst v1  }
0x3e: {  	s30 =	sor.u32 $0x400, s4;
	[tilespmem:s25+$0x8080] =	vst v1  }
0x3f: {  	s20 =	sor.u32 $0x430, s1;
	[tilespmem:s30+$0x8080] =	vst v1  }
0x40: {  	s26 =	sor.u32 $0x440, s15;
	[tilespmem:s20+$0x8080] =	vst v1  }
0x41: {  	s31 =	sor.u32 $0x410, s4;
	[tilespmem:s26+$0x8080] =	vst v1  }
0x42: {  	s21 =	sor.u32 $0x440, s1;
	[tilespmem:s31+$0x8080] =	vst v1  }
0x43: {  	s28 =	sor.u32 $0x450, s15;
	[tilespmem:s21+$0x8080] =	vst v1  }
0x44: {  	s2 =	sor.u32 $0x420, s4;
	[tilespmem:s28+$0x8080] =	vst v1  }
0x45: {  	s22 =	sor.u32 $0x450, s1;
	[tilespmem:s2+$0x8080] =	vst v1  }
0x46: {  	s29 =	sor.u32 $0x460, s15;
	[tilespmem:s22+$0x8080] =	vst v1  }
0x47: {  	s31 =	sor.u32 $0x430, s0;
	[tilespmem:s29+$0x8080] =	vst v1  }
0x48: {  	s6 =	sor.u32 $0x430, s4;
	[tilespmem:s31+$0x8080] =	vst v1  }
0x49: {  	s23 =	sor.u32 $0x460, s1;
	[tilespmem:s6+$0x8080] =	vst v1  }
0x4a: {  	s30 =	sor.u32 $0x470, s15;
	[tilespmem:s23+$0x8080] =	vst v1  }
0x4b: {  	s7 =	sor.u32 $0x440, s4;
	[tilespmem:s30+$0x8080] =	vst v1  }
0x4c: {  	s1 =	sor.u32 $0x470, s1;
	[tilespmem:s7+$0x8080] =	vst v1  }
0x4d: {  	s14 =	simm.s32 $0x10180;
	[tilespmem:s1+$0x8080] =	vst v1  }
0x4e: {  	[tilespmem:s14+$0x80] =	vst v1  }
0x4f: {  	s8 =	sor.u32 $0x450, s4;
	[tilespmem:s14+$0x90] =	vst v1  }
0x50: {  	[tilespmem:s8+$0x8080] =	vst v1  }
0x51: {  	[tilespmem:s14+$0x10] =	vst v1  }
0x52: {  	s10 =	sor.u32 $0x460, s4;
	[tilespmem:s14+$0x0] =	vst v1  }
0x53: {  	p0 =	por !p0, !p0;
	s3 =	sor.u32 $0x440, s0;
	s11 =	sor.u32 $0x470, s4;
	[tilespmem:s10+$0x8080] =	vst v1  }
0x54: {  	s16 =	simm.s32 $0x10380;
	s18 =	simm.s32 $0x2;
	s17 =	simm.s32 $0x4;
	[tilespmem:s11+$0x8080] =	vst v1  }
0x55: {  	s19 =	simm.s32 $0x380;
	s15 =	simm.s32 $0x0;
	s20 =	simm.s32 $0x400;
	[tilespmem:s14+$0xFFFFFF10] =	vst v1  }
0x56: {  	s21 =	sor.u32 $0x450, s0;
	s1 =	sor.u32 $0x460, s0;
	s0 =	sor.u32 $0x470, s0;
	[tilespmem:s14+$0xFFFFFF00] =	vst v1  }
.LBB2_2:
0x57: {  	s4 =	sand.u32 $0x7, s17  }
0x58: {  	s5 =	sand.u32 $0x7800, s20;
	s9 =	sadd.s32 $0xFFFFFF00, s19;
	[tilespmem:s3+$0x8080] =	vst v1;
	s23 =	sand.u32 $0x380, s19  }
0x59: {  	s3 =	sshll.u32 s4, $0x7;
	s4 =	sand.u32 $0x3, s18;
	[tilespmem:s21+$0x8080] =	vst v1;
	s21 =	simm.s32 $0x1  }
0x5a: {  	s21 =	simm.s32 @!p0 $0x0;
	s4 =	sshll.u32 s4, $0x8;
	s3 =	sadd.s32 s3, s20;
	[tilespmem:s1+$0x8080] =	vst v1  }
0x5b: {  	s24 =	sadd.s32 $0xFFFFFF80, s19;
	s1 =	sadd.s32 s20, s4;
	s22 =	sadd.s32 $0x80, s3;
	[tilespmem:s0+$0x8080] =	vst v1  }
0x5c: {  	s31 =	sor.u32 $0x8080, s5;
	s0 =	sadd.s32 $0xFFFFFE80, s19;
	s4 =	sadd.s32 $0x100, s1;
	[tilespmem:s14+$0xFFFFFF80] =	vst v1  }
0x5d: {  	s0 =	sand.u32 $0x200, s0;
	s1 =	sadd.s32 s23, s31;
	s5 =	sor.u32 $0x400, s4;
	[tilespmem:s14+$0xFFFFFF90] =	vst v1  }
0x5e: {  	s9 =	sand.u32 $0x280, s9;
	s14 =	sshll.u32 s21, $0x9;
	s21 =	sand.u32 $0x300, s24;
	[tilespmem:s1+$0x40] =	vst v1  }
0x5f: {  	s24 =	sadd.s32 s9, s31;
	s30 =	sadd.s32 s14, s20;
	s6 =	sor.u32 s21, s31;
	[tilespmem:s1+$0x20] =	vst v1  }
0x60: {  	s15 =	sadd.s32 $0x4, s15;
	s23 =	sadd.s32 $0x180, s3;
	s21 =	sor.u32 $0x450, s22;
	[tilespmem:s1+$0x30] =	vst v1  }
0x61: {  	p1 =	slt.u32 s15, $0x7C;
	s14 =	smov.u32 s16;
	[tilespmem:s1+$0x50] =	vst v1  }
0x62: {  	[tilespmem:s1+$0x60] =	vst v1  }
0x63: {  	[tilespmem:s1+$0x0] =	vst v1  }
0x64: {  	[tilespmem:s1+$0x70] =	vst v1  }
0x65: {  	[tilespmem:s1+$0x10] =	vst v1;
	s1 =	sor.u32 $0x400, s23  }
0x66: {  	s25 =	sor.u32 $0x400, s22;
	[tilespmem:s1+$0x8080] =	vst v1;
	s1 =	sor.u32 $0x410, s23  }
0x67: {  	[tilespmem:s1+$0x8080] =	vst v1  }
0x68: {  	s26 =	sor.u32 $0x410, s22;
	[tilespmem:s6+$0x20] =	vst v1  }
0x69: {  	s28 =	sor.u32 $0x410, s4;
	[tilespmem:s6+$0x70] =	vst v1  }
0x6a: {  	s29 =	sor.u32 $0x420, s4;
	[tilespmem:s6+$0x60] =	vst v1  }
0x6b: {  	s3 =	sor.u32 $0x420, s22;
	s7 =	sor.u32 s0, s31;
	s31 =	sor.u32 $0x430, s4;
	[tilespmem:s6+$0x50] =	vst v1  }
0x6c: {  	s0 =	sor.u32 $0x440, s4;
	[tilespmem:s6+$0x40] =	vst v1  }
0x6d: {  	s1 =	sor.u32 $0x450, s4;
	[tilespmem:s6+$0x10] =	vst v1  }
0x6e: {  	s9 =	sor.u32 $0x460, s4;
	[tilespmem:s6+$0x0] =	vst v1  }
0x6f: {  	s4 =	sor.u32 $0x470, s4;
	[tilespmem:s24+$0x60] =	vst v1  }
0x70: {  	[tilespmem:s6+$0x30] =	vst v1  }
0x71: {  	[tilespmem:s24+$0x70] =	vst v1  }
0x72: {  	[tilespmem:s5+$0x8080] =	vst v1  }
0x73: {  	[tilespmem:s24+$0x40] =	vst v1  }
0x74: {  	s5 =	sor.u32 $0x400, s30;
	[tilespmem:s24+$0x50] =	vst v1  }
0x75: {  	[tilespmem:s24+$0x30] =	vst v1  }
0x76: {  	s6 =	sor.u32 $0x410, s30;
	[tilespmem:s7+$0x50] =	vst v1  }
0x77: {  	s10 =	sor.u32 $0x420, s30;
	[tilespmem:s7+$0x0] =	vst v1  }
0x78: {  	s8 =	sor.u32 $0x430, s30;
	[tilespmem:s7+$0x40] =	vst v1  }
0x79: {  	s13 =	sor.u32 $0x440, s30;
	[tilespmem:s7+$0x10] =	vst v1  }
0x7a: {  	s2 =	sor.u32 $0x450, s30;
	[tilespmem:s7+$0x20] =	vst v1  }
0x7b: {  	s11 =	sor.u32 $0x460, s30;
	[tilespmem:s7+$0x30] =	vst v1  }
0x7c: {  	s30 =	sor.u32 $0x470, s30;
	[tilespmem:s7+$0x60] =	vst v1  }
0x7d: {  	[tilespmem:s24+$0x20] =	vst v1  }
0x7e: {  	[tilespmem:s24+$0x10] =	vst v1  }
0x7f: {  	[tilespmem:s7+$0x70] =	vst v1  }
0x80: {  	[tilespmem:s5+$0x8080] =	vst v1  }
0x81: {  	[tilespmem:s6+$0x8080] =	vst v1  }
0x82: {  	[tilespmem:s10+$0x8080] =	vst v1  }
0x83: {  	[tilespmem:s8+$0x8080] =	vst v1  }
0x84: {  	[tilespmem:s13+$0x8080] =	vst v1  }
0x85: {  	[tilespmem:s2+$0x8080] =	vst v1  }
0x86: {  	[tilespmem:s11+$0x8080] =	vst v1  }
0x87: {  	[tilespmem:s30+$0x8080] =	vst v1  }
0x88: {  	[tilespmem:s16+$0xFFFFFF10] =	vst v1  }
0x89: {  	[tilespmem:s16+$0xFFFFFF00] =	vst v1  }
0x8a: {  	[tilespmem:s24+$0x0] =	vst v1  }
0x8b: {  	[tilespmem:s25+$0x8080] =	vst v1  }
0x8c: {  	[tilespmem:s26+$0x8080] =	vst v1  }
0x8d: {  	[tilespmem:s3+$0x8080] =	vst v1  }
0x8e: {  	[tilespmem:s28+$0x8080] =	vst v1  }
0x8f: {  	[tilespmem:s29+$0x8080] =	vst v1  }
0x90: {  	[tilespmem:s31+$0x8080] =	vst v1  }
0x91: {  	[tilespmem:s0+$0x8080] =	vst v1  }
0x92: {  	[tilespmem:s1+$0x8080] =	vst v1  }
0x93: {  	[tilespmem:s9+$0x8080] =	vst v1  }
0x94: {  	[tilespmem:s4+$0x8080] =	vst v1  }
0x95: {  	[tilespmem:s16+$0x10] =	vst v1  }
0x96: {  	s0 =	sor.u32 $0x420, s23;
	[tilespmem:s16+$0x0] =	vst v1  }
0x97: {  	[tilespmem:s0+$0x8080] =	vst v1;
	s0 =	sor.u32 $0x430, s23  }
0x98: {  	[tilespmem:s0+$0x8080] =	vst v1;
	s0 =	sor.u32 $0x440, s23  }
0x99: {  	[tilespmem:s0+$0x8080] =	vst v1;
	s0 =	sor.u32 $0x450, s23  }
0x9a: {  	[tilespmem:s0+$0x8080] =	vst v1;
	s0 =	sor.u32 $0x460, s23  }
.Ltmp0:
0x9b: {  	[tilespmem:s0+$0x8080] =	vst v1;
	s0 =	sor.u32 $0x470, s23;
	(pc) =	sbr.rel @p1 .LBB2_2-.Ltmp0, $4  }
0x9c: {  	s16 =	sadd.s32 $0x200, s16;
	[tilespmem:s0+$0x8080] =	vst v1  }
0x9d: {  	s17 =	sadd.s32 $0x4, s17;
	s18 =	sadd.s32 $0x2, s18;
	p0 =	por !p0, !p0;
	[tilespmem:s14+$0x80] =	vst v1  }
0x9e: {  	s19 =	sadd.s32 $0x200, s19;
	s20 =	sadd.s32 $0x400, s20;
	s0 =	sor.u32 $0x430, s22;
	[tilespmem:s14+$0x90] =	vst v1  }
0x9f: {  	s3 =	sor.u32 $0x440, s22;
	s1 =	sor.u32 $0x460, s22;
	[tilespmem:s0+$0x8080] =	vst v1;
	s0 =	sor.u32 $0x470, s22  }
0xa0: {  	[tilespmem:s3+$0x8080] =	vst v1  }
0xa1: {  	[tilespmem:s21+$0x8080] =	vst v1  }
0xa2: {  	[tilespmem:s1+$0x8080] =	vst v1  }
0xa3: {  	[tilespmem:s0+$0x8080] =	vst v1  }
0xa4: {  	[tilespmem:s14+$0xFFFFFF80] =	vst v1  }
0xa5: {  	s30 =	simm.s32 $0x0;
	[tilespmem:s14+$0xFFFFFF90] =	vst v1  }
0xa6: {  	v18 =	vld [tilespmem:s30+$0x0];
	_ =	sdelay $0x4  }
0xa7: {  	s31 =	simm.s32 $0x10;
	v18 =	vshll.u32 v18, $0x7  }
0xa8: {  	s3 =	simm.s32 $0x10080;
	s0 =	simm.s32 $0x80;
	v19 =	vld [tilespmem:s31+$0x0];
	v18 =	vor.u32 v2, v18  }
.LBB2_4:
0xa9: {  	p0 =	sne.s32 s0, $0x1C0  }
.Ltmp1:
0xaa: {  	_ = 	snop;
	(pc) =	sbr.rel @p0 .LBB2_4-.Ltmp1, $3  }
0xab: {  	_ =	sdelay $0x1  }
0xac: {  	s1 =	sshra.s32 s0, $0x2;
	s0 =	sadd.s32 $0x40, s0;
	[tilespmem:v18+s3+$0x0] =	vst.idx.add.f32.msk $0xffff, v3;
	v20 =	vshll.u32 v19, $0x7  }
0xad: {  	v19 =	vld [tilespmem:s1+$0x0];
	v18 =	vor.u32 v2, v20  }
0xae: {  	_ =	sdelay $0x3  }
0xaf: {  	v19 =	vshll.u32 v19, $0x7  }
0xb0: {  	s0 =	simm.s32 $0x0;
	v19 =	vor.u32 v2, v19  }
0xb1: {  	v20 =	vmov s0  }
0xb2: {  	v20 =	vand.u32 $0xFFFFFFFE, v20  }
0xb3: {  	v20 =	vbroadcast v20, $0x0  }
0xb4: {  	[tilespmem:v18+s3+$0x0] =	vst.idx.add.f32.msk $0xffff, v3;
	s1 =	simm.s32 $0x1  }
0xb5: {  	s2 =	simm.s32 $0x1;
	v18 =	vmov s1;
	[tilespmem:v19+s3+$0x0] =	vst.idx.add.f32.msk $0xffff, v3  }
0xb6: {  	_ =	swait.ge [sflag:s2], $0x8000  }
0xb7: {  	[sflag:s2] =	ssyncset.done $0x0  }
0xb8: {  	s9 =	simm.s32 $0x0;
	[sflag:s2] =	ssyncadd.s32 $0xFFFF8000  }
0xb9: {  	v19 =	vld.idx.msk [tilespmem:v20+s9+$0x0], $0xffff  }
0xba: {  	v20 =	vld.idx.msk [tilespmem:v18+s9+$0x0], $0xffff;
	_ =	sdelay $0x3  }
0xbb: {  	s24 =	simm.s32 $0x0;
	s0 =	sand.u32 $0x7800, s0;
	v21 =	vshll.u32 v19, $0x8;
	v18 =	vshll.u32 v19, $0x7  }
0xbc: {  	s1 =	sand.u32 $0x300, s24;
	s0 =	sor.u32 $0x80, s0;
	v3 =	vshll.u32 v20, $0x7;
	v19 =	vand.u32 $0xFFFFF800, v21;
	v21 =	vand.u32 $0x380, v18  }
0xbd: {  	s14 =	sor.u32 s1, s0;
	[tilespmem:$0x1FFE0] =	vst v3;
	v47 =	vor.u32 v21, v19  }
0xbe: {  	s25 =	simm.s32 $0x80;
	v19 =	vshll.u32 v20, $0x8;
	v20 =	vld [tilespmem:s14+$0x0];
	v21 =	vor.u32 v0, v47  }
0xbf: {  	s1 =	sand.u32 $0x380, s25;
	v22 =	vand.u32 $0x380, v3;
	v19 =	vand.u32 $0xFFFFF800, v19  }
0xc0: {  	s19 =	sadd.s32 s1, s0;
	v48 =	vor.u32 v22, v19  }
0xc1: {  	v29 =	vld [tilespmem:s19+$0x0];
	v19 =	vor.u32 v0, v48;
	_ =	sdelay $0x1  }
0xc2: {  	[tilespmem:v21+s12+$0x0] =	vst.idx.add.f32.msk $0xffff, v20  }
0xc3: {  	v21 =	vor.u32 v2, v47;
	v32 =	vld [tilespmem:s14+$0x10];
	_ =	sdelay $0x1  }
0xc4: {  	[tilespmem:v19+s12+$0x0] =	vst.idx.add.f32.msk $0xffff, v29  }
0xc5: {  	v19 =	vor.u32 v2, v48;
	v46 =	vld [tilespmem:s19+$0x10];
	_ =	sdelay $0x1  }
0xc6: {  	[tilespmem:v21+s12+$0x0] =	vst.idx.add.f32.msk $0xffff, v32  }
0xc7: {  	v21 =	vor.u32 v4, v47;
	v26 =	vld [tilespmem:s14+$0x20];
	_ =	sdelay $0x1  }
0xc8: {  	[tilespmem:v19+s12+$0x0] =	vst.idx.add.f32.msk $0xffff, v46  }
0xc9: {  	v19 =	vor.u32 v4, v48;
	v31 =	vld [tilespmem:s19+$0x20];
	_ =	sdelay $0x1  }
0xca: {  	[tilespmem:v21+s12+$0x0] =	vst.idx.add.f32.msk $0xffff, v26  }
0xcb: {  	v21 =	vor.u32 v5, v47;
	v30 =	vld [tilespmem:s14+$0x30];
	_ =	sdelay $0x1  }
0xcc: {  	[tilespmem:v19+s12+$0x0] =	vst.idx.add.f32.msk $0xffff, v31  }
0xcd: {  	v19 =	vor.u32 v5, v48;
	v28 =	vld [tilespmem:s19+$0x30];
	_ =	sdelay $0x1  }
0xce: {  	[tilespmem:v21+s12+$0x0] =	vst.idx.add.f32.msk $0xffff, v30  }
0xcf: {  	v21 =	vor.u32 v6, v47;
	v35 =	vld [tilespmem:s14+$0x40];
	_ =	sdelay $0x1  }
0xd0: {  	[tilespmem:v19+s12+$0x0] =	vst.idx.add.f32.msk $0xffff, v28  }
0xd1: {  	v19 =	vor.u32 v6, v48;
	v36 =	vld [tilespmem:s19+$0x40];
	_ =	sdelay $0x1  }
0xd2: {  	[tilespmem:v21+s12+$0x0] =	vst.idx.add.f32.msk $0xffff, v35  }
0xd3: {  	v21 =	vor.u32 v7, v47;
	v37 =	vld [tilespmem:s14+$0x50];
	_ =	sdelay $0x1  }
0xd4: {  	[tilespmem:v19+s12+$0x0] =	vst.idx.add.f32.msk $0xffff, v36  }
0xd5: {  	v19 =	vor.u32 v7, v48;
	v38 =	vld [tilespmem:s19+$0x50];
	_ =	sdelay $0x1  }
0xd6: {  	[tilespmem:v21+s12+$0x0] =	vst.idx.add.f32.msk $0xffff, v37  }
0xd7: {  	v21 =	vor.u32 v8, v47;
	v39 =	vld [tilespmem:s14+$0x60];
	_ =	sdelay $0x1  }
0xd8: {  	[tilespmem:v19+s12+$0x0] =	vst.idx.add.f32.msk $0xffff, v38  }
0xd9: {  	v19 =	vor.u32 v8, v48;
	v40 =	vld [tilespmem:s19+$0x60];
	_ =	sdelay $0x1  }
0xda: {  	[tilespmem:v21+s12+$0x0] =	vst.idx.add.f32.msk $0xffff, v39  }
0xdb: {  	v21 =	vor.u32 v9, v47;
	v41 =	vld [tilespmem:s14+$0x70]  }
0xdc: {  	s26 =	simm.s32 $0x2  }
0xdd: {  	[tilespmem:v19+s12+$0x0] =	vst.idx.add.f32.msk $0xffff, v40;
	v19 =	vmov s26  }
0xde: {  	v22 =	vor.u32 v9, v48;
	v42 =	vld [tilespmem:s19+$0x70];
	v19 =	vand.u32 $0xFFFFFFFE, v19  }
0xdf: {  	v19 =	vbroadcast v19, $0x0  }
0xe0: {  	[tilespmem:v21+s12+$0x0] =	vst.idx.add.f32.msk $0xffff, v41  }
0xe1: {  	v21 =	vor.u32 v10, v47;
	v25 =	vld [tilespmem:s14+$0x400]  }
0xe2: {  	s28 =	simm.s32 $0x3  }
0xe3: {  	[tilespmem:v22+s12+$0x0] =	vst.idx.add.f32.msk $0xffff, v42;
	v22 =	vmov s28  }
0xe4: {  	v24 =	vld [tilespmem:s19+$0x400]  }
0xe5: {  	v23 =	vor.u32 v10, v48;
	v19 =	vld.idx.msk [tilespmem:v19+s9+$0x0], $0xffff  }
0xe6: {  	[tilespmem:v21+s12+$0x0] =	vst.idx.add.f32.msk $0xffff, v25  }
0xe7: {  	v21 =	vor.u32 v11, v47;
	v52 =	vld [tilespmem:s14+$0x410]  }
0xe8: {  	v27 =	vld.idx.msk [tilespmem:v22+s9+$0x0], $0xffff  }
0xe9: {  	s17 =	simm.s32 $0x200  }
0xea: {  	s30 =	simm.s32 $0x100;
	s29 =	sand.u32 $0x7800, s17;
	[tilespmem:v23+s12+$0x0] =	vst.idx.add.f32.msk $0xffff, v24;
	v22 =	vshll.u32 v19, $0x8;
	v19 =	vshll.u32 v19, $0x7  }
0xeb: {  	s0 =	sor.u32 $0x80, s29;
	s1 =	sand.u32 $0x300, s30;
	v44 =	vld [tilespmem:s19+$0x410];
	v22 =	vand.u32 $0xFFFFF800, v22;
	v23 =	vand.u32 $0x380, v19  }
0xec: {  	s16 =	sor.u32 s1, s0;
	v33 =	vor.u32 v11, v48;
	v22 =	vor.u32 v23, v22;
	[tilespmem:v21+s12+$0x0] =	vst.idx.add.f32.msk $0xffff, v52  }
0xed: {  	s18 =	simm.s32 $0x180;
	v23 =	vshll.u32 v27, $0x8;
	v21 =	vshll.u32 v27, $0x7;
	v27 =	vld [tilespmem:s16+$0x0];
	v50 =	vor.u32 v0, v22  }
0xee: {  	s31 =	sand.u32 $0x380, s18;
	v45 =	vor.u32 v12, v47;
	v49 =	vld [tilespmem:s14+$0x420]  }
0xef: {  	s15 =	sadd.s32 s31, s0;
	v23 =	vand.u32 $0xFFFFF800, v23;
	v51 =	vand.u32 $0x380, v21  }
0xf0: {  	v43 =	vld [tilespmem:s15+$0x0];
	v23 =	vor.u32 v51, v23  }
0xf1: {  	[tilespmem:v33+s12+$0x0] =	vst.idx.add.f32.msk $0xffff, v44;
	v51 =	vor.u32 v0, v23  }
0xf2: {  	[tilespmem:v50+s12+$0x0] =	vst.idx.add.f32.msk $0xffff, v27  }
0xf3: {  	[tilespmem:v45+s12+$0x0] =	vst.idx.add.f32.msk $0xffff, v49  }
0xf4: {  	v62 =	vor.u32 v2, v22;
	v53 =	vld [tilespmem:s16+$0x10]  }
0xf5: {  	v61 =	vor.u32 v13, v47;
	v45 =	vld [tilespmem:s14+$0x430]  }
0xf6: {  	[tilespmem:v51+s12+$0x0] =	vst.idx.add.f32.msk $0xffff, v43  }
0xf7: {  	v51 =	vld [tilespmem:s19+$0x420]  }
0xf8: {  	v63 =	vor.u32 v12, v48;
	v54 =	vld [tilespmem:s15+$0x10]  }
0xf9: {  	v55 =	vor.u32 v2, v23;
	[tilespmem:v62+s12+$0x0] =	vst.idx.add.f32.msk $0xffff, v53  }
0xfa: {  	[tilespmem:v61+s12+$0x0] =	vst.idx.add.f32.msk $0xffff, v45  }
0xfb: {  	v56 =	vld [tilespmem:s16+$0x20]  }
0xfc: {  	v57 =	vor.u32 v4, v22;
	v33 =	vld [tilespmem:s14+$0x440]  }
0xfd: {  	[tilespmem:v63+s12+$0x0] =	vst.idx.add.f32.msk $0xffff, v51  }
0xfe: {  	v58 =	vor.u32 v14, v47;
	[tilespmem:v55+s12+$0x0] =	vst.idx.add.f32.msk $0xffff, v54  }
0xff: {  	v34 =	vor.u32 v13, v48;
	v50 =	vld [tilespmem:s19+$0x430]  }
0x100: {  	v55 =	vld [tilespmem:s15+$0x20]  }
0x101: {  	v59 =	vor.u32 v4, v23;
	[tilespmem:v57+s12+$0x0] =	vst.idx.add.f32.msk $0xffff, v56  }
0x102: {  	v60 =	vld [tilespmem:s16+$0x30]  }
0x103: {  	[tilespmem:v58+s12+$0x0] =	vst.idx.add.f32.msk $0xffff, v33  }
0x104: {  	[tilespmem:v34+s12+$0x0] =	vst.idx.add.f32.msk $0xffff, v50  }
0x105: {  	v3 =	vld [tilespmem:s19+$0x440]  }
0x106: {  	v61 =	vor.u32 v5, v22;
	[tilespmem:v59+s12+$0x0] =	vst.idx.add.f32.msk $0xffff, v55  }
0x107: {  	v59 =	vor.u32 v5, v23;
	v58 =	vld [tilespmem:s15+$0x30];
	_ =	sdelay $0x2  }
0x108: {  	v26 =	vmul.f32 v26, v26;
	v30 =	vmul.f32 v30, v30;
	[tilespmem:$0x1FFF0] =	vst v3  }
0x109: {  	v57 =	vor.u32 v14, v48;
	[tilespmem:v61+s12+$0x0] =	vst.idx.add.f32.msk $0xffff, v60  }
0x10a: {  	v26 =	vadd.f32 v30, v26;
	[tilespmem:v59+s12+$0x0] =	vst.idx.add.f32.msk $0xffff, v58  }
0x10b: {  	v30 =	vmul.f32 v29, v29;
	v29 =	vmul.f32 v32, v32;
	v62 =	vor.u32 v6, v22;
	v61 =	vld [tilespmem:s16+$0x40]  }
0x10c: {  	v35 =	vmul.f32 v35, v35;
	v63 =	vmul.f32 v38, v38;
	v38 =	vor.u32 v6, v23;
	v59 =	vld [tilespmem:s15+$0x40]  }
0x10d: {  	v32 =	vmul.f32 v36, v36;
	v37 =	vmul.f32 v37, v37  }
0x10e: {  	v31 =	vmul.f32 v31, v31;
	[tilespmem:v57+s12+$0x0] =	vst.idx.add.f32.msk $0xffff, v3  }
0x10f: {  	v35 =	vadd.f32 v37, v35;
	v36 =	vadd.f32 v63, v32;
	v63 =	vmul.f32 v42, v42;
	v3 =	vld [tilespmem:s19+$0x450]  }
0x110: {  	v42 =	vor.u32 v15, v48;
	v57 =	vmul.f32 v40, v40;
	[tilespmem:v62+s12+$0x0] =	vst.idx.add.f32.msk $0xffff, v61  }
0x111: {  	v37 =	vmul.f32 v39, v39;
	v41 =	vmul.f32 v41, v41;
	[tilespmem:v38+s12+$0x0] =	vst.idx.add.f32.msk $0xffff, v59  }
0x112: {  	v28 =	vmul.f32 v28, v28;
	v40 =	vadd.f32 v63, v57;
	v62 =	vor.u32 v7, v22;
	v57 =	vld [tilespmem:s16+$0x50]  }
0x113: {  	v39 =	vmul.f32 v46, v46;
	v41 =	vadd.f32 v41, v37;
	v34 =	vor.u32 v7, v23;
	v46 =	vld [tilespmem:s15+$0x50]  }
0x114: {  	v37 =	vadd.f32 v28, v31  }
0x115: {  	v28 =	vadd.f32 v41, v35;
	v35 =	vmul.f32 v52, v52;
	[tilespmem:v42+s12+$0x0] =	vst.idx.add.f32.msk $0xffff, v3  }
0x116: {  	v41 =	vmul.f32 v44, v44;
	v49 =	vmul.f32 v49, v49;
	v63 =	vld [tilespmem:s19+$0x460]  }
0x117: {  	v52 =	vmul.f32 v45, v45;
	v45 =	vor.u32 v16, v48;
	[tilespmem:v62+s12+$0x0] =	vst.idx.add.f32.msk $0xffff, v57  }
0x118: {  	v44 =	vmul.f32 v51, v51;
	v51 =	vmul.f32 v55, v55;
	[tilespmem:v34+s12+$0x0] =	vst.idx.add.f32.msk $0xffff, v46  }
0x119: {  	v55 =	vor.u32 v8, v22;
	v31 =	vadd.f32 v40, v36;
	v40 =	vmul.f32 v53, v53;
	v62 =	vld [tilespmem:s16+$0x60]  }
0x11a: {  	v53 =	vmul.f32 v58, v58;
	v58 =	vor.u32 v8, v23;
	v38 =	vmul.f32 v54, v54;
	v54 =	vld [tilespmem:s15+$0x60]  }
0x11b: {  	v36 =	vmul.f32 v43, v43;
	v43 =	vadd.f32 v52, v49;
	v49 =	vmul.f32 v50, v50  }
0x11c: {  	[tilespmem:v45+s12+$0x0] =	vst.idx.add.f32.msk $0xffff, v63  }
0x11d: {  	v59 =	vmul.f32 v59, v59;
	v45 =	vadd.f32 v49, v44;
	v49 =	vld [tilespmem:s14+$0x450]  }
0x11e: {  	v34 =	vmul.f32 v60, v60;
	v46 =	vmul.f32 v46, v46;
	[tilespmem:v55+s12+$0x0] =	vst.idx.add.f32.msk $0xffff, v62  }
0x11f: {  	v60 =	vmul.f32 v61, v61;
	v57 =	vmul.f32 v57, v57;
	[tilespmem:v58+s12+$0x0] =	vst.idx.add.f32.msk $0xffff, v54  }
0x120: {  	v44 =	vadd.f32 v53, v51;
	v53 =	vadd.f32 v46, v59;
	v59 =	vld [tilespmem:$0x1FFE0]  }
0x121: {  	v51 =	vadd.f32 v57, v60;
	v60 =	vld [tilespmem:$0x1FFF0]  }
0x122: {  	v50 =	vmul.f32 v56, v56;
	v52 =	vor.u32 v15, v47;
	v56 =	vld [tilespmem:s19+$0x470]  }
0x123: {  	v32 =	vor.u32 v16, v47;
	v42 =	vor.u32 v16, v22  }
0x124: {  	v61 =	vor.u32 v9, v22;
	v34 =	vadd.f32 v34, v50;
	v58 =	vor.u32 v17, v48  }
0x125: {  	v55 =	vmul.f32 v62, v62;
	v62 =	vor.u32 v9, v23;
	v48 =	vor.u32 v17, v47;
	v57 =	vld [tilespmem:s15+$0x70]  }
0x126: {  	v47 =	vld [tilespmem:s16+$0x70];
	v46 =	vor.u32 v0, v59;
	v50 =	vmul.f32 v60, v60;
	v59 =	vmul.f32 v3, v3  }
0x127: {  	s19 =	simm.s32 $0x4;
	[tilespmem:v52+s12+$0x0] =	vst.idx.add.f32.msk $0xffff, v49;
	v52 =	vmul.f32 v63, v63;
	v60 =	vmul.f32 v56, v56  }
.LBB2_6:
0x128: {  	v63 =	vmov s19;
	s0 =	sadd.s32 $0x1, s19;
	p0 =	slt.u32 s19, $0x7E;
	s19 =	sadd.s32 $0x2, s19;
	v54 =	vmul.f32 v54, v54;
	v3 =	vld [tilespmem:s14+$0x460];
	v50 =	vadd.f32 v59, v50  }
0x129: {  	v59 =	vand.u32 $0xFFFFFFFE, v63;
	v63 =	vmov s0;
	[tilespmem:v58+s12+$0x0] =	vst.idx.add.f32.msk $0xffff, v56;
	v52 =	vadd.f32 v60, v52  }
0x12a: {  	v39 =	vadd.f32 v39, v30;
	v56 =	vbroadcast v59, $0x0;
	[tilespmem:v62+s12+$0x0] =	vst.idx.add.f32.msk $0xffff, v57;
	v57 =	vmul.f32 v57, v57  }
0x12b: {  	v30 =	vmov v36;
	[tilespmem:v61+s12+$0x0] =	vst.idx.add.f32.msk $0xffff, v47;
	v47 =	vmul.f32 v47, v47;
	v50 =	vadd.f32 v52, v50  }
0x12c: {  	v37 =	vadd.f32 v37, v39;
	v36 =	vld [tilespmem:s16+$0x400];
	v52 =	vadd.f32 v57, v54;
	v54 =	vmul.f32 v20, v20;
	v20 =	vmovc v27  }
0x12d: {  	v27 =	vor.u32 v10, v22;
	v39 =	vadd.f32 v47, v55;
	[tilespmem:v32+s12+$0x0] =	vst.idx.add.f32.msk $0xffff, v3;
	v32 =	vmov v42  }
0x12e: {  	v25 =	vmul.f32 v25, v25;
	v42 =	vld.idx.msk [tilespmem:v63+s9+$0x0], $0xffff;
	v47 =	vadd.f32 v52, v53;
	v53 =	vadd.f32 v29, v54  }
0x12f: {  	v54 =	vadd.f32 v31, v37;
	v29 =	vmovc v40;
	v51 =	vadd.f32 v39, v51;
	v52 =	vld [tilespmem:s14+$0x470];
	v39 =	vmul.f32 v24, v24;
	s14 =	smov.u32 s16  }
0x130: {  	v58 =	vadd.f32 v35, v25;
	v55 =	vor.u32 v11, v23;
	v40 =	vor.u32 v10, v23;
	v24 =	vld [tilespmem:s15+$0x400];
	v31 =	vmovc v47  }
0x131: {  	v57 =	vor.u32 v12, v22;
	v35 =	vld.idx.msk [tilespmem:v56+s9+$0x0], $0xffff;
	v56 =	vor.u32 v11, v22;
	v59 =	vadd.f32 v41, v39  }
0x132: {  	s17 =	sadd.s32 $0x200, s17;
	v25 =	vmov v36;
	[tilespmem:v27+s12+$0x0] =	vst.idx.add.f32.msk $0xffff, v36;
	v27 =	vmul.f32 v33, v33;
	v33 =	vadd.f32 v43, v58  }
0x133: {  	s18 =	sadd.s32 $0x100, s18;
	s0 =	sand.u32 $0x7800, s17;
	v3 =	vmul.f32 v3, v3;
	v41 =	vmul.f32 v49, v49;
	v36 =	vld [tilespmem:s14+$0x410];
	v43 =	vadd.f32 v45, v59;
	v39 =	vmovc v38  }
0x134: {  	s1 =	sand.u32 $0x380, s18;
	s0 =	sor.u32 $0x80, s0;
	v37 =	vmovc v44;
	v38 =	vshll.u32 v42, $0x8;
	v47 =	vshll.u32 v42, $0x7;
	[tilespmem:v48+s12+$0x0] =	vst.idx.add.f32.msk $0xffff, v52;
	v42 =	vmul.f32 v52, v52  }
0x135: {  	s20 =	sadd.s32 s1, s0;
	v38 =	vand.u32 $0xFFFFF800, v38;
	v44 =	vand.u32 $0x380, v47;
	[tilespmem:v40+s12+$0x0] =	vst.idx.add.f32.msk $0xffff, v24;
	v40 =	vadd.f32 v50, v43  }
0x136: {  	s1 =	sadd.s32 $0xFFFFFF80, s18;
	v27 =	vadd.f32 v41, v27;
	v50 =	vor.u32 v44, v38;
	v43 =	vld [tilespmem:s20+$0x0];
	v3 =	vadd.f32 v42, v3  }
0x137: {  	s1 =	sand.u32 $0x300, s1;
	v38 =	vshll.u32 v35, $0x8;
	v44 =	vshll.u32 v35, $0x7;
	v45 =	vor.u32 v0, v50;
	v41 =	vld [tilespmem:s15+$0x410]  }
0x138: {  	s16 =	sor.u32 s1, s0;
	v35 =	vand.u32 $0xFFFFF800, v38;
	v38 =	vand.u32 $0x380, v44;
	[tilespmem:v56+s12+$0x0] =	vst.idx.add.f32.msk $0xffff, v36;
	v3 =	vadd.f32 v3, v27  }
0x139: {  	v40 =	vadd.f32 v40, v54;
	v52 =	vor.u32 v38, v35;
	v35 =	vmul.f32 v36, v36;
	v38 =	vld [tilespmem:s14+$0x420]  }
0x13a: {  	v48 =	vor.u32 v0, v52;
	v42 =	vor.u32 v16, v52;
	v27 =	vld [tilespmem:s16+$0x0];
	v3 =	vadd.f32 v3, v33  }
0x13b: {  	v36 =	vmul.f32 v43, v43;
	[tilespmem:v46+s3+$0x0] =	vst.idx.add.f32.msk $0xffff, v40  }
0x13c: {  	v33 =	vadd.f32 v26, v53;
	v26 =	vmov v34;
	[tilespmem:v55+s12+$0x0] =	vst.idx.add.f32.msk $0xffff, v41;
	v41 =	vmul.f32 v41, v41  }
0x13d: {  	v34 =	vor.u32 v0, v18;
	v18 =	vmov v19;
	v19 =	vmov v44;
	[tilespmem:v45+s12+$0x0] =	vst.idx.add.f32.msk $0xffff, v43  }
0x13e: {  	v33 =	vadd.f32 v28, v33;
	v28 =	vmov v51;
	[tilespmem:v57+s12+$0x0] =	vst.idx.add.f32.msk $0xffff, v38  }
0x13f: {  	[tilespmem:v48+s12+$0x0] =	vst.idx.add.f32.msk $0xffff, v27  }
0x140: {  	v44 =	vor.u32 v13, v22;
	v40 =	vor.u32 v2, v52;
	v3 =	vadd.f32 v3, v33;
	v43 =	vld [tilespmem:s14+$0x430]  }
0x141: {  	v33 =	vld [tilespmem:s16+$0x10]  }
0x142: {  	v45 =	vld [tilespmem:s15+$0x420]  }
0x143: {  	[tilespmem:v34+s3+$0x0] =	vst.idx.add.f32.msk $0xffff, v3  }
0x144: {  	v34 =	vor.u32 v2, v50;
	v3 =	vld [tilespmem:s20+$0x10]  }
0x145: {  	v38 =	vmul.f32 v38, v38;
	[tilespmem:v44+s12+$0x0] =	vst.idx.add.f32.msk $0xffff, v43;
	v43 =	vmul.f32 v43, v43  }
0x146: {  	v44 =	vor.u32 v12, v23;
	[tilespmem:v40+s12+$0x0] =	vst.idx.add.f32.msk $0xffff, v33;
	v40 =	vmul.f32 v33, v33  }
0x147: {  	v46 =	vld [tilespmem:s16+$0x20];
	v43 =	vadd.f32 v43, v38  }
0x148: {  	v48 =	vor.u32 v4, v52;
	v33 =	vld [tilespmem:s14+$0x440]  }
0x149: {  	[tilespmem:v34+s12+$0x0] =	vst.idx.add.f32.msk $0xffff, v3;
	v38 =	vmul.f32 v3, v3  }
0x14a: {  	v34 =	vor.u32 v14, v22;
	v3 =	vld [tilespmem:s20+$0x20]  }
0x14b: {  	v49 =	vor.u32 v4, v50;
	[tilespmem:v44+s12+$0x0] =	vst.idx.add.f32.msk $0xffff, v45  }
0x14c: {  	v44 =	vld [tilespmem:s15+$0x430]  }
0x14d: {  	[tilespmem:v48+s12+$0x0] =	vst.idx.add.f32.msk $0xffff, v46;
	v48 =	vor.u32 v13, v23  }
0x14e: {  	v51 =	vld [tilespmem:s16+$0x30]  }
0x14f: {  	v53 =	vor.u32 v5, v52;
	[tilespmem:v34+s12+$0x0] =	vst.idx.add.f32.msk $0xffff, v33  }
0x150: {  	[tilespmem:v49+s12+$0x0] =	vst.idx.add.f32.msk $0xffff, v3  }
0x151: {  	v54 =	vor.u32 v5, v50;
	v34 =	vmul.f32 v45, v45;
	v49 =	vld [tilespmem:s20+$0x30];
	v45 =	vmul.f32 v44, v44  }
0x152: {  	v46 =	vmul.f32 v46, v46;
	[tilespmem:v48+s12+$0x0] =	vst.idx.add.f32.msk $0xffff, v44  }
0x153: {  	v48 =	vor.u32 v14, v23;
	v44 =	vmul.f32 v51, v51;
	v59 =	vld [tilespmem:s15+$0x440];
	v45 =	vadd.f32 v45, v34  }
0x154: {  	[tilespmem:v53+s12+$0x0] =	vst.idx.add.f32.msk $0xffff, v51  }
0x155: {  	v53 =	vor.u32 v6, v52;
	v51 =	vld [tilespmem:s16+$0x40];
	v34 =	vadd.f32 v44, v46  }
0x156: {  	v3 =	vmul.f32 v3, v3;
	[tilespmem:v54+s12+$0x0] =	vst.idx.add.f32.msk $0xffff, v49;
	v44 =	vmul.f32 v49, v49  }
0x157: {  	v49 =	vor.u32 v6, v50;
	v46 =	vld [tilespmem:s20+$0x40]  }
0x158: {  	v44 =	vadd.f32 v44, v3;
	[tilespmem:v48+s12+$0x0] =	vst.idx.add.f32.msk $0xffff, v59  }
0x159: {  	v48 =	vor.u32 v15, v23;
	v3 =	vld [tilespmem:s15+$0x450]  }
0x15a: {  	[tilespmem:v53+s12+$0x0] =	vst.idx.add.f32.msk $0xffff, v51;
	v51 =	vmul.f32 v51, v51  }
0x15b: {  	v54 =	vor.u32 v7, v52;
	v53 =	vld [tilespmem:s16+$0x50]  }
0x15c: {  	[tilespmem:v49+s12+$0x0] =	vst.idx.add.f32.msk $0xffff, v46;
	v46 =	vmul.f32 v46, v46  }
0x15d: {  	v55 =	vor.u32 v7, v50;
	v49 =	vld [tilespmem:s20+$0x50]  }
0x15e: {  	[tilespmem:v48+s12+$0x0] =	vst.idx.add.f32.msk $0xffff, v3  }
0x15f: {  	v60 =	vld [tilespmem:s15+$0x460]  }
0x160: {  	v56 =	vor.u32 v16, v23;
	[tilespmem:v54+s12+$0x0] =	vst.idx.add.f32.msk $0xffff, v53;
	v48 =	vmul.f32 v53, v53  }
0x161: {  	v57 =	vld [tilespmem:s16+$0x60]  }
0x162: {  	v58 =	vor.u32 v8, v52;
	[tilespmem:v55+s12+$0x0] =	vst.idx.add.f32.msk $0xffff, v49;
	v49 =	vmul.f32 v49, v49  }
0x163: {  	v51 =	vadd.f32 v48, v51;
	v48 =	vor.u32 v8, v50;
	v54 =	vld [tilespmem:s20+$0x60]  }
0x164: {  	v53 =	vadd.f32 v49, v46;
	v49 =	vld [tilespmem:s14+$0x450]  }
0x165: {  	[tilespmem:v56+s12+$0x0] =	vst.idx.add.f32.msk $0xffff, v60  }
0x166: {  	v63 =	vor.u32 v15, v22;
	v56 =	vld [tilespmem:s15+$0x470];
	s15 =	smov.u32 s20  }
.Ltmp2:
0x167: {  	[tilespmem:v58+s12+$0x0] =	vst.idx.add.f32.msk $0xffff, v57;
	(pc) =	sbr.rel @p0 .LBB2_6-.Ltmp2, $4  }
0x168: {  	v46 =	vor.u32 v0, v21;
	v21 =	vmov v47;
	v58 =	vor.u32 v17, v23;
	[tilespmem:v48+s12+$0x0] =	vst.idx.add.f32.msk $0xffff, v54  }
0x169: {  	v62 =	vor.u32 v9, v50;
	v55 =	vmul.f32 v57, v57;
	v23 =	vmovc v50;
	v48 =	vor.u32 v17, v22;
	v57 =	vld [tilespmem:s15+$0x70]  }
0x16a: {  	v61 =	vor.u32 v9, v52;
	v50 =	vmul.f32 v59, v59;
	v59 =	vmul.f32 v3, v3;
	v22 =	vmovc v52;
	v47 =	vld [tilespmem:s16+$0x70]  }
0x16b: {  	v52 =	vmul.f32 v60, v60;
	[tilespmem:v63+s12+$0x0] =	vst.idx.add.f32.msk $0xffff, v49;
	v60 =	vmul.f32 v56, v56  }
0x16c: {  	_ =	sdelay $0x3  }
0x16d: {  	[tilespmem:v62+s12+$0x0] =	vst.idx.add.f32.msk $0xffff, v57  }
0x16e: {  	v3 =	vld [tilespmem:s15+$0x400]  }
0x16f: {  	v62 =	vor.u32 v10, v23;
	_ =	sdelay $0x3  }
0x170: {  	[tilespmem:$0x1FFD0] =	vst v3  }
0x171: {  	[tilespmem:v62+s12+$0x0] =	vst.idx.add.f32.msk $0xffff, v3;
	v3 =	vor.u32 v11, v23  }
0x172: {  	[tilespmem:$0x1FF10] =	vst v3  }
0x173: {  	v3 =	vld [tilespmem:s15+$0x410];
	_ =	sdelay $0x4  }
0x174: {  	[tilespmem:$0x1FFB0] =	vst v3  }
0x175: {  	[tilespmem:v61+s12+$0x0] =	vst.idx.add.f32.msk $0xffff, v47  }
0x176: {  	v61 =	vld [tilespmem:$0x1FF10];
	_ =	sdelay $0x1  }
0x177: {  	v63 =	vld [tilespmem:s16+$0x400];
	_ =	sdelay $0x4  }
0x178: {  	[tilespmem:$0x1FFC0] =	vst v63  }
0x179: {  	[tilespmem:v61+s12+$0x0] =	vst.idx.add.f32.msk $0xffff, v3  }
0x17a: {  	v3 =	vld [tilespmem:s15+$0x420]  }
0x17b: {  	v62 =	vor.u32 v10, v22;
	_ =	sdelay $0x3  }
0x17c: {  	[tilespmem:$0x1FF90] =	vst v3  }
0x17d: {  	[tilespmem:v62+s12+$0x0] =	vst.idx.add.f32.msk $0xffff, v63;
	v62 =	vor.u32 v11, v22  }
0x17e: {  	[tilespmem:$0x1FF20] =	vst v62  }
0x17f: {  	v63 =	vld [tilespmem:s16+$0x410]  }
0x180: {  	v61 =	vor.u32 v12, v23;
	_ =	sdelay $0x3  }
0x181: {  	[tilespmem:$0x1FF60] =	vst v63  }
0x182: {  	[tilespmem:v61+s12+$0x0] =	vst.idx.add.f32.msk $0xffff, v3  }
0x183: {  	v3 =	vld [tilespmem:$0x1FF20];
	_ =	sdelay $0x1  }
0x184: {  	v61 =	vld [tilespmem:s15+$0x430];
	_ =	sdelay $0x4  }
0x185: {  	[tilespmem:$0x1FFA0] =	vst v61  }
0x186: {  	[tilespmem:v3+s12+$0x0] =	vst.idx.add.f32.msk $0xffff, v63;
	v3 =	vor.u32 v12, v22  }
0x187: {  	[tilespmem:$0x1FF30] =	vst v3  }
0x188: {  	v3 =	vld [tilespmem:s16+$0x420]  }
0x189: {  	v62 =	vor.u32 v13, v23;
	_ =	sdelay $0x3  }
0x18a: {  	[tilespmem:$0x1FF70] =	vst v3  }
0x18b: {  	[tilespmem:v62+s12+$0x0] =	vst.idx.add.f32.msk $0xffff, v61  }
0x18c: {  	v62 =	vld [tilespmem:$0x1FF30];
	_ =	sdelay $0x1  }
0x18d: {  	v63 =	vld [tilespmem:s15+$0x440];
	_ =	sdelay $0x4  }
0x18e: {  	[tilespmem:$0x1FF80] =	vst v63  }
0x18f: {  	[tilespmem:v62+s12+$0x0] =	vst.idx.add.f32.msk $0xffff, v3;
	v62 =	vor.u32 v13, v22  }
0x190: {  	v3 =	vld [tilespmem:s16+$0x430];
	[tilespmem:$0x1FF40] =	vst v62  }
0x191: {  	v62 =	vld [tilespmem:s14+$0x460]  }
0x192: {  	v61 =	vor.u32 v14, v23;
	_ =	sdelay $0x3  }
0x193: {  	[tilespmem:$0x1FF50] =	vst v62  }
0x194: {  	[tilespmem:v61+s12+$0x0] =	vst.idx.add.f32.msk $0xffff, v63  }
0x195: {  	[tilespmem:v58+s12+$0x0] =	vst.idx.add.f32.msk $0xffff, v56  }
0x196: {  	v56 =	vld [tilespmem:$0x1FF40];
	_ =	sdelay $0x6  }
0x197: {  	v61 =	vor.u32 v15, v23;
	v63 =	vld [tilespmem:s15+$0x450]  }
0x198: {  	[tilespmem:v56+s12+$0x0] =	vst.idx.add.f32.msk $0xffff, v3  }
0x199: {  	v50 =	vadd.f32 v59, v50;
	v59 =	vld [tilespmem:$0x1FF50]  }
0x19a: {  	v58 =	vor.u32 v14, v22;
	v56 =	vld [tilespmem:s16+$0x440]  }
0x19b: {  	v30 =	vadd.f32 v39, v30  }
0x19c: {  	[tilespmem:v61+s12+$0x0] =	vst.idx.add.f32.msk $0xffff, v63  }
0x19d: {  	v30 =	vadd.f32 v37, v30;
	v37 =	vld [tilespmem:s15+$0x460]  }
0x19e: {  	v20 =	vmul.f32 v20, v20;
	v61 =	vor.u32 v16, v23;
	[tilespmem:v32+s12+$0x0] =	vst.idx.add.f32.msk $0xffff, v59  }
0x19f: {  	v24 =	vmul.f32 v24, v24;
	v52 =	vadd.f32 v60, v52;
	[tilespmem:v58+s12+$0x0] =	vst.idx.add.f32.msk $0xffff, v56  }
0x1a0: {  	v60 =	vmul.f32 v57, v57;
	v20 =	vadd.f32 v29, v20;
	v57 =	vor.u32 v15, v22;
	v29 =	vld [tilespmem:s16+$0x450]  }
0x1a1: {  	v24 =	vadd.f32 v41, v24;
	v62 =	vmov v3;
	v3 =	vmul.f32 v47, v47;
	v47 =	vld [tilespmem:s14+$0x470]  }
0x1a2: {  	v25 =	vmul.f32 v25, v25  }
0x1a3: {  	v39 =	vadd.f32 v52, v50;
	v24 =	vadd.f32 v45, v24;
	[tilespmem:v61+s12+$0x0] =	vst.idx.add.f32.msk $0xffff, v37  }
0x1a4: {  	v25 =	vadd.f32 v35, v25;
	v35 =	vld [tilespmem:s15+$0x470]  }
0x1a5: {  	v30 =	vadd.f32 v31, v30;
	v24 =	vadd.f32 v39, v24;
	[tilespmem:v57+s12+$0x0] =	vst.idx.add.f32.msk $0xffff, v29  }
0x1a6: {  	[tilespmem:v48+s12+$0x0] =	vst.idx.add.f32.msk $0xffff, v47  }
0x1a7: {  	v27 =	vmul.f32 v27, v27;
	v24 =	vadd.f32 v24, v30;
	v61 =	vld [tilespmem:s16+$0x460]  }
0x1a8: {  	v41 =	vld [tilespmem:$0x1FF60]  }
0x1a9: {  	v33 =	vmul.f32 v33, v33;
	v27 =	vadd.f32 v40, v27;
	[tilespmem:v46+s3+$0x0] =	vst.idx.add.f32.msk $0xffff, v24  }
0x1aa: {  	v25 =	vadd.f32 v43, v25;
	v20 =	vadd.f32 v26, v20;
	v32 =	vmul.f32 v54, v54;
	v24 =	vld [tilespmem:$0x1FF70]  }
0x1ab: {  	v27 =	vadd.f32 v34, v27;
	v58 =	vmul.f32 v49, v49;
	v59 =	vmul.f32 v59, v59;
	v45 =	vld [tilespmem:$0x1FF80]  }
0x1ac: {  	v32 =	vadd.f32 v60, v32;
	v60 =	vmul.f32 v47, v47;
	[tilespmem:v42+s12+$0x0] =	vst.idx.add.f32.msk $0xffff, v61  }
0x1ad: {  	v20 =	vadd.f32 v28, v20;
	v3 =	vadd.f32 v3, v55;
	v49 =	vld [tilespmem:$0x1FF90]  }
0x1ae: {  	v33 =	vadd.f32 v58, v33;
	v31 =	vadd.f32 v60, v59;
	v50 =	vld [tilespmem:$0x1FFA0]  }
0x1af: {  	v43 =	vmul.f32 v62, v62;
	v3 =	vadd.f32 v3, v51;
	v32 =	vadd.f32 v32, v53;
	v51 =	vld [tilespmem:s16+$0x470]  }
0x1b0: {  	v57 =	vmul.f32 v56, v56;
	v29 =	vmul.f32 v29, v29;
	v31 =	vadd.f32 v31, v33;
	v42 =	vld [tilespmem:$0x1FFB0]  }
0x1b1: {  	v53 =	vadd.f32 v38, v36;
	v47 =	vmul.f32 v37, v37;
	v48 =	vmul.f32 v35, v35;
	v55 =	vld [tilespmem:$0x1FFD0]  }
0x1b2: {  	v46 =	vmul.f32 v63, v63;
	v29 =	vadd.f32 v29, v57;
	v25 =	vadd.f32 v31, v25;
	v54 =	vld [tilespmem:$0x1FFC0]  }
0x1b3: {  	v52 =	vadd.f32 v48, v47;
	v30 =	vmul.f32 v41, v41;
	v26 =	vmul.f32 v61, v61  }
0x1b4: {  	v24 =	vmul.f32 v24, v24;
	v20 =	vadd.f32 v25, v20;
	v25 =	vmul.f32 v45, v45  }
0x1b5: {  	v33 =	vadd.f32 v44, v53;
	v28 =	vmul.f32 v49, v49;
	v39 =	vmul.f32 v50, v50  }
0x1b6: {  	v24 =	vadd.f32 v43, v24;
	v42 =	vmul.f32 v42, v42;
	v36 =	vmul.f32 v55, v55  }
0x1b7: {  	v25 =	vadd.f32 v46, v25;
	v31 =	vmul.f32 v54, v54;
	v58 =	vmul.f32 v51, v51  }
0x1b8: {  	v18 =	vor.u32 v0, v18;
	v28 =	vadd.f32 v39, v28;
	v59 =	vadd.f32 v42, v36  }
0x1b9: {  	v60 =	vor.u32 v17, v23;
	v30 =	vadd.f32 v30, v31;
	v26 =	vadd.f32 v58, v26  }
0x1ba: {  	v61 =	vor.u32 v17, v22;
	v25 =	vadd.f32 v52, v25;
	v28 =	vadd.f32 v28, v59  }
0x1bb: {  	v21 =	vor.u32 v0, v21;
	v24 =	vadd.f32 v24, v30;
	v26 =	vadd.f32 v26, v29  }
0x1bc: {  	v19 =	vor.u32 v0, v19;
	v62 =	vadd.f32 v32, v33;
	v25 =	vadd.f32 v25, v28  }
0x1bd: {  	v3 =	vadd.f32 v3, v27;
	[tilespmem:v18+s3+$0x0] =	vst.idx.add.f32.msk $0xffff, v20;
	v18 =	vadd.f32 v26, v24  }
0x1be: {  	[tilespmem:v60+s12+$0x0] =	vst.idx.add.f32.msk $0xffff, v35;
	v63 =	vadd.f32 v25, v62  }
0x1bf: {  	[tilespmem:v61+s12+$0x0] =	vst.idx.add.f32.msk $0xffff, v51;
	v3 =	vadd.f32 v18, v3  }
0x1c0: {  	[tilespmem:v21+s3+$0x0] =	vst.idx.add.f32.msk $0xffff, v63  }
0x1c1: {  	[tilespmem:v19+s3+$0x0] =	vst.idx.add.f32.msk $0xffff, v3  }
0x1c2: {  	s1 =	simm.s32 $0x2;
	s0 =	rddreg [dreg:$0x6]  }
0x1c3: {  	[hbm4b:s0+s9] =	stream.linear.scatter [tilespmem:s12], [sflag:$0x2], $0x8000, $0x38;
	[tilespmem:$0x14080] =	vst v63  }
0x1c4: {  	_ =	swait.ge [sflag:s1], $0x8000  }
0x1c5: {  	[sflag:s1] =	ssyncset.done $0x0  }
0x1c6: {  	s30 =	rddreg [dreg:$0x7];
	[sflag:s1] =	ssyncadd.s32 $0xFFFF8000  }
0x1c7: {  	[hbm4b:s30+s9] =	stream.linear.scatter [tilespmem:s3], [sflag:$0x2], $0x4000, $0x38;
	[tilespmem:$0x14080] =	vst v63  }
0x1c8: {  	_ =	swait.ge [sflag:s1], $0x4000  }
0x1c9: {  	s2 =	rddreg [dreg:$0x9]  }
0x1ca: {  	s31 =	rddreg [dreg:$0x8];
	s2 =	sadd.s32 $0x1, s2  }
0x1cb: {  	p0 =	sne.s32 s2, s31  }
.Ltmp3:
0x1cc: {  	_ = 	snop;
	(pc) =	sbr.rel @p0 .LBB2_1-.Ltmp3, $3  }
0x1cd: {  	_ =	sdelay $0x1  }
0x1ce: {  	[sflag:s1] =	ssyncset.done $0x0  }
0x1cf: {  	v3 =	vimm.f32 $1.000000000e+00;
	[sflag:s1] =	ssyncadd.s32 $0xFFFFC000  }
0x1d0: {  	_ =	sfence.sel $0x180000  }
0x1d1: {  	[bflag:$0x0] =	sbarrier.arrive $0xFFFF  }
0x1d2: {  	_ =	strace $0x90000047  }
0x1d3: {  	s0 =	stileid.u32;
	[bflag:$0x2] =	sbarrier.arrive $0xFFFF  }
0x1d4: {  	p0 =	sne.s32 s0, $0x0;
	s0 =	rddreg [dreg:$0x3]  }
0x1d5: {  	s0 =	sadd.s32 @!p0 $0x100000, s0  }
0x1d6: {  	[sflag:s0] =	ssyncadd.tile.s32 @!p0 $0x1;
	_ =	shalt  }
.Lfunc_end2:
_tile_overlayer_lowered:
.L_overlay_start_2:
0x1d7: {  	(tag) =	ssettag $0x2  }
0x1d8: {  	s0 =	rddreg [dreg:$0x0];
	s2 =	stileid.u32  }
0x1d9: {  	s1 =	rddreg [dreg:$0x1];
	p0 =	sne.s32 s2, $0x0  }
0x1da: {  	s3 =	rddreg [dreg:$0x2];
	[bflag:$0x3] =	sbarrier.arrive $0xFFFF;
	s2 =	simm.s32 @!p0 $0x1C02  }
0x1db: {  	[timem:s3], [sflag:s2] =	dma.local @!p0 [hbm:s0], s1  }
0x1dc: {  	s0 =	simm.s32 @!p0 $0x2  }
0x1dd: {  	_ =	swait.ge @!p0 [sflag:s0], s1  }
0x1de: {  	s1 =	ssub.s32 @!p0 $0x0, s1;
	[sflag:s0] =	ssyncset.done @!p0 $0x0  }
0x1df: {  	[sflag:s0] =	ssyncadd.s32 @!p0 s1  }
0x1e0: {  	[bflag:$0x3] =	sbarrier.arrive $0xFFFF  }
0x1e1: {  	_ =	shalt  }

</sc_bundles>
